<compile_context>
chip_gen: v7x
topology: tpu7x:2x2x1
jax: 0.10.2.dev20260603
libtpu: 0.0.44.dev20260713+nightly
codegen_flags: <defaults>
</compile_context>

<pallas_src>
import functools

import jax
import jax.numpy as jnp
from jax import lax
from jax.experimental import pallas as pl
from jax.experimental.pallas import tpu as pltpu
from jax.experimental.pallas import tpu_sc as plsc

_TIME = 288
_NWEEK = 7
_B = 64
_T = 12
_N = 4096
_F = 64

_CHUNK = 512
_CPB = _N // _CHUNK
_NCHUNKS = _B * _CPB

_info = plsc.get_sparse_core_info()
_NC = _info.num_cores
_NS = _info.num_subcores
_NW = _NC * _NS
_CPW = _NCHUNKS // _NW
_L = 16


@functools.partial(
    pl.kernel,
    mesh=plsc.VectorSubcoreMesh(core_axis_name="c", subcore_axis_name="s"),
    compiler_params=pltpu.CompilerParams(needs_layout_passes=False),
    out_type=jax.ShapeDtypeStruct((_B, _F, _N), jnp.float32),
    scratch_types=[
        pltpu.VMEM((_F * _TIME,), jnp.float32),
        pltpu.VMEM((_F * _NWEEK,), jnp.float32),
        pltpu.VMEM((_CHUNK, 3), jnp.float32),
        pltpu.VMEM((_F, _CHUNK), jnp.float32),
    ],
)
def _emb_kernel(x_hbm, td_hbm, tw_hbm, out_hbm, td_v, tw_v, xbuf, blk):
    wid = lax.axis_index("s") * _NC + lax.axis_index("c")

    pltpu.sync_copy(td_hbm, td_v)
    pltpu.sync_copy(tw_hbm, tw_v)

    lane = lax.iota(jnp.int32, _L)
    one = jnp.full((_L,), 1, jnp.int32)
    two = jnp.full((_L,), 2, jnp.int32)

    def chunk_body(i, carry):
        cid = wid * _CPW + i
        b = cid // _CPB
        n0 = (cid % _CPB) * _CHUNK

        pltpu.sync_copy(x_hbm.at[b, _T - 1, pl.ds(n0, _CHUNK), :], xbuf)

        def v_body(v, c):
            tok = v * _L + lane
            dayv = plsc.load_gather(xbuf, [tok, one])
            weekv = plsc.load_gather(xbuf, [tok, two])
            day_i = jnp.clip((dayv * float(_TIME)).astype(jnp.int32),
                             0, _TIME - 1)
            week_i = jnp.clip(weekv.astype(jnp.int32), 0, _NWEEK - 1)
            for f in range(_F):
                d = plsc.load_gather(td_v, [day_i + f * _TIME])
                w = plsc.load_gather(tw_v, [week_i + f * _NWEEK])
                blk[f, pl.ds(v * _L, _L)] = d + w
            return c

        lax.fori_loop(0, _CHUNK // _L, v_body, 0)
        pltpu.sync_copy(blk, out_hbm.at[b, :, pl.ds(n0, _CHUNK)])
        return carry

    lax.fori_loop(0, _CPW, chunk_body, 0)


def kernel(x, time_day, time_week):
    td = time_day.T.reshape(-1)
    tw = time_week.T.reshape(-1)
    out = _emb_kernel(x, td, tw)
    return out[..., None]

# --- scband reference (transcript-rebuilt; emitter-appended) ---
"""Pipeline reference for scband-temporal-embedding-76828374991199 (READ-ONLY COPY).

The authoritative reference and input builder live on the scoring server;
editing this copy changes nothing except your own understanding.
"""

import jax, jax.numpy as jnp
import numpy as np

TIME = 288
FEATURES = 64

def setup_inputs(seed: int = 0) -> dict:
    key = jax.random.key(seed)
    k1, k2, k3 = jax.random.split(key, 3)
    x = jax.random.uniform(k1, (64, 12, 4096, 3), dtype=jnp.float32)
    # xavier_uniform-like init for parameters
    bound_day = float(np.sqrt(6.0 / (TIME + FEATURES)))
    time_day = jax.random.uniform(k2, (TIME, FEATURES), dtype=jnp.float32, minval=-bound_day, maxval=bound_day)
    bound_week = float(np.sqrt(6.0 / (7 + FEATURES)))
    time_week = jax.random.uniform(k3, (7, FEATURES), dtype=jnp.float32, minval=-bound_week, maxval=bound_week)
    return {"x": x, "time_day": time_day, "time_week": time_week}

def reference(x, time_day, time_week):
    # day embedding channel
    day_emb = x[..., 1]                                   # [B, T, N]
    day_index = (day_emb[:, -1, :] * TIME).astype(jnp.int32)  # [B, N]
    day_index = jnp.clip(day_index, 0, TIME - 1)
    td = jnp.take(time_day, day_index, axis=0)            # [B, N, F]
    td = jnp.transpose(td, (0, 2, 1))[..., None]          # [B, F, N, 1]
    # week embedding channel
    week_emb = x[..., 2]                                  # [B, T, N]
    week_index = week_emb[:, -1, :].astype(jnp.int32)     # [B, N]
    week_index = jnp.clip(week_index, 0, 6)
    tw = jnp.take(time_week, week_index, axis=0)          # [B, N, F]
    tw = jnp.transpose(tw, (0, 2, 1))[..., None]          # [B, F, N, 1]
    return td + tw

if __name__ == "__main__":
    import jax
    _d = setup_inputs()
    print(jax.jit(kernel)(*tuple(_d.values())))

</pallas_src>

<mosaic_0001>
#map = affine_map<(d0, d1) -> (0, 0, 0, 0)>
#map1 = affine_map<(d0, d1) -> (0)>
#map2 = affine_map<(d0, d1) -> (0, 0, 0)>
module attributes {stable_mosaic.version = 14 : i64} {
  func.func @_emb_kernel(%arg0: i32, %arg1: i32, %arg2: memref<64x12x4096x3xf32, #tpu.memory_space<hbm>>, %arg3: memref<18432xf32, #tpu.memory_space<hbm>>, %arg4: memref<448xf32, #tpu.memory_space<hbm>>, %arg5: memref<64x64x4096xf32, #tpu.memory_space<hbm>>, %arg6: memref<18432xf32, #tpu.memory_space<vmem>>, %arg7: memref<448xf32, #tpu.memory_space<vmem>>, %arg8: memref<512x3xf32, #tpu.memory_space<vmem>>, %arg9: memref<64x512xf32, #tpu.memory_space<vmem>>) attributes {dimension_semantics = [#tpu.dimension_semantics<core_parallel>, #tpu.dimension_semantics<subcore_parallel>], iteration_bounds = array<i64: 2, 16>, scalar_prefetch = 0 : i64, scratch_operands = 4 : i64, tpu.core_type = #tpu.core_type<sc_vector_subcore>, window_params = [{transform_indices = #map}, {transform_indices = #map1}, {transform_indices = #map1}, {transform_indices = #map2}]} {
    %mul3A = arith.constant 2 : i32
    %mul3A_0 = arith.muli %arg1, %mul3A : i32
    %add3A = arith.addi %mul3A_0, %arg0 : i32
    "tpu.region"() ({
      %run_scoped3A = tpu.sem_alloc : memref<!tpu.dma_semaphore, #tpu.memory_space<semaphore_mem>>
      tpu.enqueue_dma source(%arg3 : memref<18432xf32, #tpu.memory_space<hbm>>) target(%arg6 : memref<18432xf32, #tpu.memory_space<vmem>>) target_semaphore(%run_scoped3A : memref<!tpu.dma_semaphore, #tpu.memory_space<semaphore_mem>>)
      tpu.wait_dma2 semaphore(%run_scoped3A : memref<!tpu.dma_semaphore, #tpu.memory_space<semaphore_mem>>) src(%arg3 : memref<18432xf32, #tpu.memory_space<hbm>>) dst(%arg6 : memref<18432xf32, #tpu.memory_space<vmem>>)
      tpu.yield
    }) : () -> ()
    "tpu.region"() ({
      %run_scoped3A = tpu.sem_alloc : memref<!tpu.dma_semaphore, #tpu.memory_space<semaphore_mem>>
      tpu.enqueue_dma source(%arg4 : memref<448xf32, #tpu.memory_space<hbm>>) target(%arg7 : memref<448xf32, #tpu.memory_space<vmem>>) target_semaphore(%run_scoped3A : memref<!tpu.dma_semaphore, #tpu.memory_space<semaphore_mem>>)
      tpu.wait_dma2 semaphore(%run_scoped3A : memref<!tpu.dma_semaphore, #tpu.memory_space<semaphore_mem>>) src(%arg4 : memref<448xf32, #tpu.memory_space<hbm>>) dst(%arg7 : memref<448xf32, #tpu.memory_space<vmem>>)
      tpu.yield
    }) : () -> ()
    %iota3A = tpu.iota {dimensions = array<i32: 0>} : vector<16xi32>
    %broadcast_in_dim3A = arith.constant 1 : i32
    %broadcast_in_dim3A_1 = vector.broadcast %broadcast_in_dim3A : i32 to vector<16xi32>
    %broadcast_in_dim3A_2 = arith.constant 2 : i32
    %broadcast_in_dim3A_3 = vector.broadcast %broadcast_in_dim3A_2 : i32 to vector<16xi32>
    %scan3A = arith.constant 0 : i32
    %scan3A_4 = arith.constant 0 : i32
    %scan3A_5 = arith.constant 16 : i32
    %scan3A_6 = arith.addi %scan3A_4, %scan3A_5 : i32
    %scan3A_7 = arith.constant 1 : i32
    scf.for %scan3A_9 = %scan3A_4 to %scan3A_6 step %scan3A_7  : i32 {
      %mul3A_10 = arith.constant 16 : i32
      %mul3A_11 = arith.muli %add3A, %mul3A_10 : i32
      %add3A_12 = arith.addi %mul3A_11, %scan3A_9 : i32
      %jit3A = arith.constant 8 : i32
      %div3A = arith.divsi %add3A_12, %jit3A : i32
      %sign3A = arith.constant 0 : i32
      %sign3A_13 = arith.cmpi sgt, %add3A_12, %sign3A : i32
      %sign3A_14 = arith.extui %sign3A_13 : i1 to i32
      %sign3A_15 = arith.constant 0 : i32
      %sign3A_16 = arith.cmpi slt, %add3A_12, %sign3A_15 : i32
      %sign3A_17 = arith.extui %sign3A_16 : i1 to i32
      %sign3A_18 = arith.subi %sign3A_14, %sign3A_17 : i32
      %sign3A_19 = arith.constant 0 : i32
      %sign3A_20 = arith.cmpi sgt, %jit3A, %sign3A_19 : i32
      %sign3A_21 = arith.extui %sign3A_20 : i1 to i32
      %sign3A_22 = arith.constant 0 : i32
      %sign3A_23 = arith.cmpi slt, %jit3A, %sign3A_22 : i32
      %sign3A_24 = arith.extui %sign3A_23 : i1 to i32
      %sign3A_25 = arith.subi %sign3A_21, %sign3A_24 : i32
      %ne3A = arith.cmpi ne, %sign3A_18, %sign3A_25 : i32
      %rem3A = arith.remsi %add3A_12, %jit3A : i32
      %ne3A_26 = arith.constant 0 : i32
      %ne3A_27 = arith.cmpi ne, %rem3A, %ne3A_26 : i32
      %and3A = arith.andi %ne3A, %ne3A_27 : i1
      %sub3A = arith.constant 1 : i32
      %sub3A_28 = arith.subi %div3A, %sub3A : i32
      %select_n3A = arith.select %and3A, %sub3A_28, %div3A : i32
      %jit3A_29 = arith.constant 8 : i32
      %eq3A = arith.constant 0 : i32
      %eq3A_30 = arith.cmpi eq, %jit3A_29, %eq3A : i32
      %jit3A_31 = arith.constant 1 : i32
      %select_n3A_32 = arith.select %eq3A_30, %jit3A_31, %jit3A_29 : i32
      %rem3A_33 = arith.remsi %add3A_12, %select_n3A_32 : i32
      %ne3A_34 = arith.constant 0 : i32
      %ne3A_35 = arith.cmpi ne, %rem3A_33, %ne3A_34 : i32
      %lt3A = arith.constant 0 : i32
      %lt3A_36 = arith.cmpi slt, %rem3A_33, %lt3A : i32
      %lt3A_37 = arith.constant 0 : i32
      %lt3A_38 = arith.cmpi slt, %select_n3A_32, %lt3A_37 : i32
      %ne3A_39 = arith.xori %lt3A_36, %lt3A_38 : i1
      %and3A_40 = arith.andi %ne3A_39, %ne3A_35 : i1
      %add3A_41 = arith.addi %rem3A_33, %select_n3A_32 : i32
      %select_n3A_42 = arith.select %and3A_40, %add3A_41, %rem3A_33 : i32
      %mul3A_43 = arith.constant 512 : i32
      %mul3A_44 = arith.muli %select_n3A_42, %mul3A_43 : i32
      %run_scoped3A = arith.constant 11 : i32
      "tpu.region"() ({
        %run_scoped3A_51 = tpu.sem_alloc : memref<!tpu.dma_semaphore, #tpu.memory_space<semaphore_mem>>
        %dma_start3A = arith.constant 0 : i32
        %dma_start3A_52 = tpu.memref_slice %arg2[%select_n3A, %run_scoped3A, %mul3A_44, %dma_start3A] : memref<64x12x4096x3xf32, #tpu.memory_space<hbm>> -> memref<1x1x512x3xf32, #tpu.memory_space<hbm>>
        %dma_start3A_53 = tpu.memref_squeeze %dma_start3A_52 : memref<1x1x512x3xf32, #tpu.memory_space<hbm>> -> memref<512x3xf32, #tpu.memory_space<hbm>>
        %dma_start3A_54 = arith.constant 0 : i32
        %dma_start3A_55 = tpu.memref_slice %arg2[%select_n3A, %run_scoped3A, %mul3A_44, %dma_start3A_54] : memref<64x12x4096x3xf32, #tpu.memory_space<hbm>> -> memref<1x1x512x3xf32, #tpu.memory_space<hbm>>
        %dma_start3A_56 = tpu.memref_squeeze %dma_start3A_55 : memref<1x1x512x3xf32, #tpu.memory_space<hbm>> -> memref<512x3xf32, #tpu.memory_space<hbm>>
        tpu.enqueue_dma source(%dma_start3A_56 : memref<512x3xf32, #tpu.memory_space<hbm>>) target(%arg8 : memref<512x3xf32, #tpu.memory_space<vmem>>) target_semaphore(%run_scoped3A_51 : memref<!tpu.dma_semaphore, #tpu.memory_space<semaphore_mem>>)
        %dma_wait3A = arith.constant 0 : i32
        %dma_wait3A_57 = tpu.memref_slice %arg2[%select_n3A, %run_scoped3A, %mul3A_44, %dma_wait3A] : memref<64x12x4096x3xf32, #tpu.memory_space<hbm>> -> memref<1x1x512x3xf32, #tpu.memory_space<hbm>>
        %dma_wait3A_58 = tpu.memref_squeeze %dma_wait3A_57 : memref<1x1x512x3xf32, #tpu.memory_space<hbm>> -> memref<512x3xf32, #tpu.memory_space<hbm>>
        %dma_wait3A_59 = arith.constant 0 : i32
        %dma_wait3A_60 = tpu.memref_slice %arg2[%select_n3A, %run_scoped3A, %mul3A_44, %dma_wait3A_59] : memref<64x12x4096x3xf32, #tpu.memory_space<hbm>> -> memref<1x1x512x3xf32, #tpu.memory_space<hbm>>
        %dma_wait3A_61 = tpu.memref_squeeze %dma_wait3A_60 : memref<1x1x512x3xf32, #tpu.memory_space<hbm>> -> memref<512x3xf32, #tpu.memory_space<hbm>>
        tpu.wait_dma2 semaphore(%run_scoped3A_51 : memref<!tpu.dma_semaphore, #tpu.memory_space<semaphore_mem>>) src(%dma_wait3A_61 : memref<512x3xf32, #tpu.memory_space<hbm>>) dst(%arg8 : memref<512x3xf32, #tpu.memory_space<vmem>>)
        tpu.yield
      }) : () -> ()
      %scan3A_45 = arith.constant 0 : i32
      %scan3A_46 = arith.constant 0 : i32
      %scan3A_47 = arith.constant 32 : i32
      %scan3A_48 = arith.addi %scan3A_46, %scan3A_47 : i32
      %scan3A_49 = arith.constant 1 : i32
      scf.for %scan3A_51 = %scan3A_46 to %scan3A_48 step %scan3A_49  : i32 {
        %mul3A_52 = arith.constant 16 : i32
        %mul3A_53 = arith.muli %scan3A_51, %mul3A_52 : i32
        %add3A_54 = vector.broadcast %mul3A_53 : i32 to vector<16xi32>
        %add3A_55 = arith.addi %add3A_54, %iota3A : vector<16xi32>
        %gather3A = tpu.vector_load_idx %arg8[%add3A_55, %broadcast_in_dim3A_1] : memref<512x3xf32, #tpu.memory_space<vmem>>[vector<16xi32>, vector<16xi32>], vector<16xf32>,
        %gather3A_56 = tpu.vector_load_idx %arg8[%add3A_55, %broadcast_in_dim3A_3] : memref<512x3xf32, #tpu.memory_space<vmem>>[vector<16xi32>, vector<16xi32>], vector<16xf32>,
        %mul3A_57 = arith.constant 2.880000e+02 : f32
        %mul3A_58 = vector.broadcast %mul3A_57 : f32 to vector<16xf32>
        %mul3A_59 = arith.mulf %gather3A, %mul3A_58 : vector<16xf32>
        %convert_element_type3A = arith.fptosi %mul3A_59 : vector<16xf32> to vector<16xi32>
        %jit3A_60 = arith.constant 0 : i32
        %jit3A_61 = arith.constant 287 : i32
        %max3A = vector.broadcast %jit3A_60 : i32 to vector<16xi32>
        %max3A_62 = arith.maxsi %max3A, %convert_element_type3A : vector<16xi32>
        %min3A = vector.broadcast %jit3A_61 : i32 to vector<16xi32>
        %min3A_63 = arith.minsi %min3A, %max3A_62 : vector<16xi32>
        %convert_element_type3A_64 = arith.fptosi %gather3A_56 : vector<16xf32> to vector<16xi32>
        %jit3A_65 = arith.constant 0 : i32
        %jit3A_66 = arith.constant 6 : i32
        %max3A_67 = vector.broadcast %jit3A_65 : i32 to vector<16xi32>
        %max3A_68 = arith.maxsi %max3A_67, %convert_element_type3A_64 : vector<16xi32>
        %min3A_69 = vector.broadcast %jit3A_66 : i32 to vector<16xi32>
        %min3A_70 = arith.minsi %min3A_69, %max3A_68 : vector<16xi32>
        %add3A_71 = arith.constant 0 : i32
        %add3A_72 = vector.broadcast %add3A_71 : i32 to vector<16xi32>
        %add3A_73 = arith.addi %min3A_63, %add3A_72 : vector<16xi32>
        %gather3A_74 = tpu.vector_load_idx %arg6[%add3A_73] : memref<18432xf32, #tpu.memory_space<vmem>>[vector<16xi32>], vector<16xf32>,
        %add3A_75 = arith.constant 0 : i32
        %add3A_76 = vector.broadcast %add3A_75 : i32 to vector<16xi32>
        %add3A_77 = arith.addi %min3A_70, %add3A_76 : vector<16xi32>
        %gather3A_78 = tpu.vector_load_idx %arg7[%add3A_77] : memref<448xf32, #tpu.memory_space<vmem>>[vector<16xi32>], vector<16xf32>,
        %add3A_79 = arith.addf %gather3A_74, %gather3A_78 : vector<16xf32>
        %mul3A_80 = arith.constant 16 : i32
        %mul3A_81 = arith.muli %scan3A_51, %mul3A_80 : i32
        %swap3A = arith.constant 0 : i32
        %swap3A_82 = arith.index_cast %swap3A : i32 to index
        %swap3A_83 = arith.index_cast %mul3A_81 : i32 to index
        %swap3A_84 = tpu.vector_load %arg9[%swap3A_82, %swap3A_83] {strides = array<i32>} : memref<64x512xf32, #tpu.memory_space<vmem>>, vector<16xf32>,
        tpu.vector_store %arg9[%swap3A_82, %swap3A_83], %add3A_79 {strides = array<i32>} : memref<64x512xf32, #tpu.memory_space<vmem>>, vector<16xf32>,
        %add3A_85 = arith.constant 288 : i32
        %add3A_86 = vector.broadcast %add3A_85 : i32 to vector<16xi32>
        %add3A_87 = arith.addi %min3A_63, %add3A_86 : vector<16xi32>
        %gather3A_88 = tpu.vector_load_idx %arg6[%add3A_87] : memref<18432xf32, #tpu.memory_space<vmem>>[vector<16xi32>], vector<16xf32>,
        %add3A_89 = arith.constant 7 : i32
        %add3A_90 = vector.broadcast %add3A_89 : i32 to vector<16xi32>
        %add3A_91 = arith.addi %min3A_70, %add3A_90 : vector<16xi32>
        %gather3A_92 = tpu.vector_load_idx %arg7[%add3A_91] : memref<448xf32, #tpu.memory_space<vmem>>[vector<16xi32>], vector<16xf32>,
        %add3A_93 = arith.addf %gather3A_88, %gather3A_92 : vector<16xf32>
        %mul3A_94 = arith.constant 16 : i32
        %mul3A_95 = arith.muli %scan3A_51, %mul3A_94 : i32
        %swap3A_96 = arith.constant 1 : i32
        %swap3A_97 = arith.index_cast %swap3A_96 : i32 to index
        %swap3A_98 = arith.index_cast %mul3A_95 : i32 to index
        %swap3A_99 = tpu.vector_load %arg9[%swap3A_97, %swap3A_98] {strides = array<i32>} : memref<64x512xf32, #tpu.memory_space<vmem>>, vector<16xf32>,
        tpu.vector_store %arg9[%swap3A_97, %swap3A_98], %add3A_93 {strides = array<i32>} : memref<64x512xf32, #tpu.memory_space<vmem>>, vector<16xf32>,
        %add3A_100 = arith.constant 576 : i32
        %add3A_101 = vector.broadcast %add3A_100 : i32 to vector<16xi32>
        %add3A_102 = arith.addi %min3A_63, %add3A_101 : vector<16xi32>
        %gather3A_103 = tpu.vector_load_idx %arg6[%add3A_102] : memref<18432xf32, #tpu.memory_space<vmem>>[vector<16xi32>], vector<16xf32>,
        %add3A_104 = arith.constant 14 : i32
        %add3A_105 = vector.broadcast %add3A_104 : i32 to vector<16xi32>
        %add3A_106 = arith.addi %min3A_70, %add3A_105 : vector<16xi32>
        %gather3A_107 = tpu.vector_load_idx %arg7[%add3A_106] : memref<448xf32, #tpu.memory_space<vmem>>[vector<16xi32>], vector<16xf32>,
        %add3A_108 = arith.addf %gather3A_103, %gather3A_107 : vector<16xf32>
        %mul3A_109 = arith.constant 16 : i32
        %mul3A_110 = arith.muli %scan3A_51, %mul3A_109 : i32
        %swap3A_111 = arith.constant 2 : i32
        %swap3A_112 = arith.index_cast %swap3A_111 : i32 to index
        %swap3A_113 = arith.index_cast %mul3A_110 : i32 to index
        %swap3A_114 = tpu.vector_load %arg9[%swap3A_112, %swap3A_113] {strides = array<i32>} : memref<64x512xf32, #tpu.memory_space<vmem>>, vector<16xf32>,
        tpu.vector_store %arg9[%swap3A_112, %swap3A_113], %add3A_108 {strides = array<i32>} : memref<64x512xf32, #tpu.memory_space<vmem>>, vector<16xf32>,
        %add3A_115 = arith.constant 864 : i32
        %add3A_116 = vector.broadcast %add3A_115 : i32 to vector<16xi32>
        %add3A_117 = arith.addi %min3A_63, %add3A_116 : vector<16xi32>
        %gather3A_118 = tpu.vector_load_idx %arg6[%add3A_117] : memref<18432xf32, #tpu.memory_space<vmem>>[vector<16xi32>], vector<16xf32>,
        %add3A_119 = arith.constant 21 : i32
        %add3A_120 = vector.broadcast %add3A_119 : i32 to vector<16xi32>
        %add3A_121 = arith.addi %min3A_70, %add3A_120 : vector<16xi32>
        %gather3A_122 = tpu.vector_load_idx %arg7[%add3A_121] : memref<448xf32, #tpu.memory_space<vmem>>[vector<16xi32>], vector<16xf32>,
        %add3A_123 = arith.addf %gather3A_118, %gather3A_122 : vector<16xf32>
        %mul3A_124 = arith.constant 16 : i32
        %mul3A_125 = arith.muli %scan3A_51, %mul3A_124 : i32
        %swap3A_126 = arith.constant 3 : i32
        %swap3A_127 = arith.index_cast %swap3A_126 : i32 to index
        %swap3A_128 = arith.index_cast %mul3A_125 : i32 to index
        %swap3A_129 = tpu.vector_load %arg9[%swap3A_127, %swap3A_128] {strides = array<i32>} : memref<64x512xf32, #tpu.memory_space<vmem>>, vector<16xf32>,
        tpu.vector_store %arg9[%swap3A_127, %swap3A_128], %add3A_123 {strides = array<i32>} : memref<64x512xf32, #tpu.memory_space<vmem>>, vector<16xf32>,
        %add3A_130 = arith.constant 1152 : i32
        %add3A_131 = vector.broadcast %add3A_130 : i32 to vector<16xi32>
        %add3A_132 = arith.addi %min3A_63, %add3A_131 : vector<16xi32>
        %gather3A_133 = tpu.vector_load_idx %arg6[%add3A_132] : memref<18432xf32, #tpu.memory_space<vmem>>[vector<16xi32>], vector<16xf32>,
        %add3A_134 = arith.constant 28 : i32
        %add3A_135 = vector.broadcast %add3A_134 : i32 to vector<16xi32>
        %add3A_136 = arith.addi %min3A_70, %add3A_135 : vector<16xi32>
        %gather3A_137 = tpu.vector_load_idx %arg7[%add3A_136] : memref<448xf32, #tpu.memory_space<vmem>>[vector<16xi32>], vector<16xf32>,
        %add3A_138 = arith.addf %gather3A_133, %gather3A_137 : vector<16xf32>
        %mul3A_139 = arith.constant 16 : i32
        %mul3A_140 = arith.muli %scan3A_51, %mul3A_139 : i32
        %swap3A_141 = arith.constant 4 : i32
        %swap3A_142 = arith.index_cast %swap3A_141 : i32 to index
        %swap3A_143 = arith.index_cast %mul3A_140 : i32 to index
        %swap3A_144 = tpu.vector_load %arg9[%swap3A_142, %swap3A_143] {strides = array<i32>} : memref<64x512xf32, #tpu.memory_space<vmem>>, vector<16xf32>,
        tpu.vector_store %arg9[%swap3A_142, %swap3A_143], %add3A_138 {strides = array<i32>} : memref<64x512xf32, #tpu.memory_space<vmem>>, vector<16xf32>,
        %add3A_145 = arith.constant 1440 : i32
        %add3A_146 = vector.broadcast %add3A_145 : i32 to vector<16xi32>
        %add3A_147 = arith.addi %min3A_63, %add3A_146 : vector<16xi32>
        %gather3A_148 = tpu.vector_load_idx %arg6[%add3A_147] : memref<18432xf32, #tpu.memory_space<vmem>>[vector<16xi32>], vector<16xf32>,
        %add3A_149 = arith.constant 35 : i32
        %add3A_150 = vector.broadcast %add3A_149 : i32 to vector<16xi32>
        %add3A_151 = arith.addi %min3A_70, %add3A_150 : vector<16xi32>
        %gather3A_152 = tpu.vector_load_idx %arg7[%add3A_151] : memref<448xf32, #tpu.memory_space<vmem>>[vector<16xi32>], vector<16xf32>,
        %add3A_153 = arith.addf %gather3A_148, %gather3A_152 : vector<16xf32>
        %mul3A_154 = arith.constant 16 : i32
        %mul3A_155 = arith.muli %scan3A_51, %mul3A_154 : i32
        %swap3A_156 = arith.constant 5 : i32
        %swap3A_157 = arith.index_cast %swap3A_156 : i32 to index
        %swap3A_158 = arith.index_cast %mul3A_155 : i32 to index
        %swap3A_159 = tpu.vector_load %arg9[%swap3A_157, %swap3A_158] {strides = array<i32>} : memref<64x512xf32, #tpu.memory_space<vmem>>, vector<16xf32>,
        tpu.vector_store %arg9[%swap3A_157, %swap3A_158], %add3A_153 {strides = array<i32>} : memref<64x512xf32, #tpu.memory_space<vmem>>, vector<16xf32>,
        %add3A_160 = arith.constant 1728 : i32
        %add3A_161 = vector.broadcast %add3A_160 : i32 to vector<16xi32>
        %add3A_162 = arith.addi %min3A_63, %add3A_161 : vector<16xi32>
        %gather3A_163 = tpu.vector_load_idx %arg6[%add3A_162] : memref<18432xf32, #tpu.memory_space<vmem>>[vector<16xi32>], vector<16xf32>,
        %add3A_164 = arith.constant 42 : i32
        %add3A_165 = vector.broadcast %add3A_164 : i32 to vector<16xi32>
        %add3A_166 = arith.addi %min3A_70, %add3A_165 : vector<16xi32>
        %gather3A_167 = tpu.vector_load_idx %arg7[%add3A_166] : memref<448xf32, #tpu.memory_space<vmem>>[vector<16xi32>], vector<16xf32>,
        %add3A_168 = arith.addf %gather3A_163, %gather3A_167 : vector<16xf32>
        %mul3A_169 = arith.constant 16 : i32
        %mul3A_170 = arith.muli %scan3A_51, %mul3A_169 : i32
        %swap3A_171 = arith.constant 6 : i32
        %swap3A_172 = arith.index_cast %swap3A_171 : i32 to index
        %swap3A_173 = arith.index_cast %mul3A_170 : i32 to index
        %swap3A_174 = tpu.vector_load %arg9[%swap3A_172, %swap3A_173] {strides = array<i32>} : memref<64x512xf32, #tpu.memory_space<vmem>>, vector<16xf32>,
        tpu.vector_store %arg9[%swap3A_172, %swap3A_173], %add3A_168 {strides = array<i32>} : memref<64x512xf32, #tpu.memory_space<vmem>>, vector<16xf32>,
        %add3A_175 = arith.constant 2016 : i32
        %add3A_176 = vector.broadcast %add3A_175 : i32 to vector<16xi32>
        %add3A_177 = arith.addi %min3A_63, %add3A_176 : vector<16xi32>
        %gather3A_178 = tpu.vector_load_idx %arg6[%add3A_177] : memref<18432xf32, #tpu.memory_space<vmem>>[vector<16xi32>], vector<16xf32>,
        %add3A_179 = arith.constant 49 : i32
        %add3A_180 = vector.broadcast %add3A_179 : i32 to vector<16xi32>
        %add3A_181 = arith.addi %min3A_70, %add3A_180 : vector<16xi32>
        %gather3A_182 = tpu.vector_load_idx %arg7[%add3A_181] : memref<448xf32, #tpu.memory_space<vmem>>[vector<16xi32>], vector<16xf32>,
        %add3A_183 = arith.addf %gather3A_178, %gather3A_182 : vector<16xf32>
        %mul3A_184 = arith.constant 16 : i32
        %mul3A_185 = arith.muli %scan3A_51, %mul3A_184 : i32
        %swap3A_186 = arith.constant 7 : i32
        %swap3A_187 = arith.index_cast %swap3A_186 : i32 to index
        %swap3A_188 = arith.index_cast %mul3A_185 : i32 to index
        %swap3A_189 = tpu.vector_load %arg9[%swap3A_187, %swap3A_188] {strides = array<i32>} : memref<64x512xf32, #tpu.memory_space<vmem>>, vector<16xf32>,
        tpu.vector_store %arg9[%swap3A_187, %swap3A_188], %add3A_183 {strides = array<i32>} : memref<64x512xf32, #tpu.memory_space<vmem>>, vector<16xf32>,
        %add3A_190 = arith.constant 2304 : i32
        %add3A_191 = vector.broadcast %add3A_190 : i32 to vector<16xi32>
        %add3A_192 = arith.addi %min3A_63, %add3A_191 : vector<16xi32>
        %gather3A_193 = tpu.vector_load_idx %arg6[%add3A_192] : memref<18432xf32, #tpu.memory_space<vmem>>[vector<16xi32>], vector<16xf32>,
        %add3A_194 = arith.constant 56 : i32
        %add3A_195 = vector.broadcast %add3A_194 : i32 to vector<16xi32>
        %add3A_196 = arith.addi %min3A_70, %add3A_195 : vector<16xi32>
        %gather3A_197 = tpu.vector_load_idx %arg7[%add3A_196] : memref<448xf32, #tpu.memory_space<vmem>>[vector<16xi32>], vector<16xf32>,
        %add3A_198 = arith.addf %gather3A_193, %gather3A_197 : vector<16xf32>
        %mul3A_199 = arith.constant 16 : i32
        %mul3A_200 = arith.muli %scan3A_51, %mul3A_199 : i32
        %swap3A_201 = arith.constant 8 : i32
        %swap3A_202 = arith.index_cast %swap3A_201 : i32 to index
        %swap3A_203 = arith.index_cast %mul3A_200 : i32 to index
        %swap3A_204 = tpu.vector_load %arg9[%swap3A_202, %swap3A_203] {strides = array<i32>} : memref<64x512xf32, #tpu.memory_space<vmem>>, vector<16xf32>,
        tpu.vector_store %arg9[%swap3A_202, %swap3A_203], %add3A_198 {strides = array<i32>} : memref<64x512xf32, #tpu.memory_space<vmem>>, vector<16xf32>,
        %add3A_205 = arith.constant 2592 : i32
        %add3A_206 = vector.broadcast %add3A_205 : i32 to vector<16xi32>
        %add3A_207 = arith.addi %min3A_63, %add3A_206 : vector<16xi32>
        %gather3A_208 = tpu.vector_load_idx %arg6[%add3A_207] : memref<18432xf32, #tpu.memory_space<vmem>>[vector<16xi32>], vector<16xf32>,
        %add3A_209 = arith.constant 63 : i32
        %add3A_210 = vector.broadcast %add3A_209 : i32 to vector<16xi32>
        %add3A_211 = arith.addi %min3A_70, %add3A_210 : vector<16xi32>
        %gather3A_212 = tpu.vector_load_idx %arg7[%add3A_211] : memref<448xf32, #tpu.memory_space<vmem>>[vector<16xi32>], vector<16xf32>,
        %add3A_213 = arith.addf %gather3A_208, %gather3A_212 : vector<16xf32>
        %mul3A_214 = arith.constant 16 : i32
        %mul3A_215 = arith.muli %scan3A_51, %mul3A_214 : i32
        %swap3A_216 = arith.constant 9 : i32
        %swap3A_217 = arith.index_cast %swap3A_216 : i32 to index
        %swap3A_218 = arith.index_cast %mul3A_215 : i32 to index
        %swap3A_219 = tpu.vector_load %arg9[%swap3A_217, %swap3A_218] {strides = array<i32>} : memref<64x512xf32, #tpu.memory_space<vmem>>, vector<16xf32>,
        tpu.vector_store %arg9[%swap3A_217, %swap3A_218], %add3A_213 {strides = array<i32>} : memref<64x512xf32, #tpu.memory_space<vmem>>, vector<16xf32>,
        %add3A_220 = arith.constant 2880 : i32
        %add3A_221 = vector.broadcast %add3A_220 : i32 to vector<16xi32>
        %add3A_222 = arith.addi %min3A_63, %add3A_221 : vector<16xi32>
        %gather3A_223 = tpu.vector_load_idx %arg6[%add3A_222] : memref<18432xf32, #tpu.memory_space<vmem>>[vector<16xi32>], vector<16xf32>,
        %add3A_224 = arith.constant 70 : i32
        %add3A_225 = vector.broadcast %add3A_224 : i32 to vector<16xi32>
        %add3A_226 = arith.addi %min3A_70, %add3A_225 : vector<16xi32>
        %gather3A_227 = tpu.vector_load_idx %arg7[%add3A_226] : memref<448xf32, #tpu.memory_space<vmem>>[vector<16xi32>], vector<16xf32>,
        %add3A_228 = arith.addf %gather3A_223, %gather3A_227 : vector<16xf32>
        %mul3A_229 = arith.constant 16 : i32
        %mul3A_230 = arith.muli %scan3A_51, %mul3A_229 : i32
        %swap3A_231 = arith.constant 10 : i32
        %swap3A_232 = arith.index_cast %swap3A_231 : i32 to index
        %swap3A_233 = arith.index_cast %mul3A_230 : i32 to index
        %swap3A_234 = tpu.vector_load %arg9[%swap3A_232, %swap3A_233] {strides = array<i32>} : memref<64x512xf32, #tpu.memory_space<vmem>>, vector<16xf32>,
        tpu.vector_store %arg9[%swap3A_232, %swap3A_233], %add3A_228 {strides = array<i32>} : memref<64x512xf32, #tpu.memory_space<vmem>>, vector<16xf32>,
        %add3A_235 = arith.constant 3168 : i32
        %add3A_236 = vector.broadcast %add3A_235 : i32 to vector<16xi32>
        %add3A_237 = arith.addi %min3A_63, %add3A_236 : vector<16xi32>
        %gather3A_238 = tpu.vector_load_idx %arg6[%add3A_237] : memref<18432xf32, #tpu.memory_space<vmem>>[vector<16xi32>], vector<16xf32>,
        %add3A_239 = arith.constant 77 : i32
        %add3A_240 = vector.broadcast %add3A_239 : i32 to vector<16xi32>
        %add3A_241 = arith.addi %min3A_70, %add3A_240 : vector<16xi32>
        %gather3A_242 = tpu.vector_load_idx %arg7[%add3A_241] : memref<448xf32, #tpu.memory_space<vmem>>[vector<16xi32>], vector<16xf32>,
        %add3A_243 = arith.addf %gather3A_238, %gather3A_242 : vector<16xf32>
        %mul3A_244 = arith.constant 16 : i32
        %mul3A_245 = arith.muli %scan3A_51, %mul3A_244 : i32
        %swap3A_246 = arith.constant 11 : i32
        %swap3A_247 = arith.index_cast %swap3A_246 : i32 to index
        %swap3A_248 = arith.index_cast %mul3A_245 : i32 to index
        %swap3A_249 = tpu.vector_load %arg9[%swap3A_247, %swap3A_248] {strides = array<i32>} : memref<64x512xf32, #tpu.memory_space<vmem>>, vector<16xf32>,
        tpu.vector_store %arg9[%swap3A_247, %swap3A_248], %add3A_243 {strides = array<i32>} : memref<64x512xf32, #tpu.memory_space<vmem>>, vector<16xf32>,
        %add3A_250 = arith.constant 3456 : i32
        %add3A_251 = vector.broadcast %add3A_250 : i32 to vector<16xi32>
        %add3A_252 = arith.addi %min3A_63, %add3A_251 : vector<16xi32>
        %gather3A_253 = tpu.vector_load_idx %arg6[%add3A_252] : memref<18432xf32, #tpu.memory_space<vmem>>[vector<16xi32>], vector<16xf32>,
        %add3A_254 = arith.constant 84 : i32
        %add3A_255 = vector.broadcast %add3A_254 : i32 to vector<16xi32>
        %add3A_256 = arith.addi %min3A_70, %add3A_255 : vector<16xi32>
        %gather3A_257 = tpu.vector_load_idx %arg7[%add3A_256] : memref<448xf32, #tpu.memory_space<vmem>>[vector<16xi32>], vector<16xf32>,
        %add3A_258 = arith.addf %gather3A_253, %gather3A_257 : vector<16xf32>
        %mul3A_259 = arith.constant 16 : i32
        %mul3A_260 = arith.muli %scan3A_51, %mul3A_259 : i32
        %swap3A_261 = arith.constant 12 : i32
        %swap3A_262 = arith.index_cast %swap3A_261 : i32 to index
        %swap3A_263 = arith.index_cast %mul3A_260 : i32 to index
        %swap3A_264 = tpu.vector_load %arg9[%swap3A_262, %swap3A_263] {strides = array<i32>} : memref<64x512xf32, #tpu.memory_space<vmem>>, vector<16xf32>,
        tpu.vector_store %arg9[%swap3A_262, %swap3A_263], %add3A_258 {strides = array<i32>} : memref<64x512xf32, #tpu.memory_space<vmem>>, vector<16xf32>,
        %add3A_265 = arith.constant 3744 : i32
        %add3A_266 = vector.broadcast %add3A_265 : i32 to vector<16xi32>
        %add3A_267 = arith.addi %min3A_63, %add3A_266 : vector<16xi32>
        %gather3A_268 = tpu.vector_load_idx %arg6[%add3A_267] : memref<18432xf32, #tpu.memory_space<vmem>>[vector<16xi32>], vector<16xf32>,
        %add3A_269 = arith.constant 91 : i32
        %add3A_270 = vector.broadcast %add3A_269 : i32 to vector<16xi32>
        %add3A_271 = arith.addi %min3A_70, %add3A_270 : vector<16xi32>
        %gather3A_272 = tpu.vector_load_idx %arg7[%add3A_271] : memref<448xf32, #tpu.memory_space<vmem>>[vector<16xi32>], vector<16xf32>,
        %add3A_273 = arith.addf %gather3A_268, %gather3A_272 : vector<16xf32>
        %mul3A_274 = arith.constant 16 : i32
        %mul3A_275 = arith.muli %scan3A_51, %mul3A_274 : i32
        %swap3A_276 = arith.constant 13 : i32
        %swap3A_277 = arith.index_cast %swap3A_276 : i32 to index
        %swap3A_278 = arith.index_cast %mul3A_275 : i32 to index
        %swap3A_279 = tpu.vector_load %arg9[%swap3A_277, %swap3A_278] {strides = array<i32>} : memref<64x512xf32, #tpu.memory_space<vmem>>, vector<16xf32>,
        tpu.vector_store %arg9[%swap3A_277, %swap3A_278], %add3A_273 {strides = array<i32>} : memref<64x512xf32, #tpu.memory_space<vmem>>, vector<16xf32>,
        %add3A_280 = arith.constant 4032 : i32
        %add3A_281 = vector.broadcast %add3A_280 : i32 to vector<16xi32>
        %add3A_282 = arith.addi %min3A_63, %add3A_281 : vector<16xi32>
        %gather3A_283 = tpu.vector_load_idx %arg6[%add3A_282] : memref<18432xf32, #tpu.memory_space<vmem>>[vector<16xi32>], vector<16xf32>,
        %add3A_284 = arith.constant 98 : i32
        %add3A_285 = vector.broadcast %add3A_284 : i32 to vector<16xi32>
        %add3A_286 = arith.addi %min3A_70, %add3A_285 : vector<16xi32>
        %gather3A_287 = tpu.vector_load_idx %arg7[%add3A_286] : memref<448xf32, #tpu.memory_space<vmem>>[vector<16xi32>], vector<16xf32>,
        %add3A_288 = arith.addf %gather3A_283, %gather3A_287 : vector<16xf32>
        %mul3A_289 = arith.constant 16 : i32
        %mul3A_290 = arith.muli %scan3A_51, %mul3A_289 : i32
        %swap3A_291 = arith.constant 14 : i32
        %swap3A_292 = arith.index_cast %swap3A_291 : i32 to index
        %swap3A_293 = arith.index_cast %mul3A_290 : i32 to index
        %swap3A_294 = tpu.vector_load %arg9[%swap3A_292, %swap3A_293] {strides = array<i32>} : memref<64x512xf32, #tpu.memory_space<vmem>>, vector<16xf32>,
        tpu.vector_store %arg9[%swap3A_292, %swap3A_293], %add3A_288 {strides = array<i32>} : memref<64x512xf32, #tpu.memory_space<vmem>>, vector<16xf32>,
        %add3A_295 = arith.constant 4320 : i32
        %add3A_296 = vector.broadcast %add3A_295 : i32 to vector<16xi32>
        %add3A_297 = arith.addi %min3A_63, %add3A_296 : vector<16xi32>
        %gather3A_298 = tpu.vector_load_idx %arg6[%add3A_297] : memref<18432xf32, #tpu.memory_space<vmem>>[vector<16xi32>], vector<16xf32>,
        %add3A_299 = arith.constant 105 : i32
        %add3A_300 = vector.broadcast %add3A_299 : i32 to vector<16xi32>
        %add3A_301 = arith.addi %min3A_70, %add3A_300 : vector<16xi32>
        %gather3A_302 = tpu.vector_load_idx %arg7[%add3A_301] : memref<448xf32, #tpu.memory_space<vmem>>[vector<16xi32>], vector<16xf32>,
        %add3A_303 = arith.addf %gather3A_298, %gather3A_302 : vector<16xf32>
        %mul3A_304 = arith.constant 16 : i32
        %mul3A_305 = arith.muli %scan3A_51, %mul3A_304 : i32
        %swap3A_306 = arith.constant 15 : i32
        %swap3A_307 = arith.index_cast %swap3A_306 : i32 to index
        %swap3A_308 = arith.index_cast %mul3A_305 : i32 to index
        %swap3A_309 = tpu.vector_load %arg9[%swap3A_307, %swap3A_308] {strides = array<i32>} : memref<64x512xf32, #tpu.memory_space<vmem>>, vector<16xf32>,
        tpu.vector_store %arg9[%swap3A_307, %swap3A_308], %add3A_303 {strides = array<i32>} : memref<64x512xf32, #tpu.memory_space<vmem>>, vector<16xf32>,
        %add3A_310 = arith.constant 4608 : i32
        %add3A_311 = vector.broadcast %add3A_310 : i32 to vector<16xi32>
        %add3A_312 = arith.addi %min3A_63, %add3A_311 : vector<16xi32>
        %gather3A_313 = tpu.vector_load_idx %arg6[%add3A_312] : memref<18432xf32, #tpu.memory_space<vmem>>[vector<16xi32>], vector<16xf32>,
        %add3A_314 = arith.constant 112 : i32
        %add3A_315 = vector.broadcast %add3A_314 : i32 to vector<16xi32>
        %add3A_316 = arith.addi %min3A_70, %add3A_315 : vector<16xi32>
        %gather3A_317 = tpu.vector_load_idx %arg7[%add3A_316] : memref<448xf32, #tpu.memory_space<vmem>>[vector<16xi32>], vector<16xf32>,
        %add3A_318 = arith.addf %gather3A_313, %gather3A_317 : vector<16xf32>
        %mul3A_319 = arith.constant 16 : i32
        %mul3A_320 = arith.muli %scan3A_51, %mul3A_319 : i32
        %swap3A_321 = arith.constant 16 : i32
        %swap3A_322 = arith.index_cast %swap3A_321 : i32 to index
        %swap3A_323 = arith.index_cast %mul3A_320 : i32 to index
        %swap3A_324 = tpu.vector_load %arg9[%swap3A_322, %swap3A_323] {strides = array<i32>} : memref<64x512xf32, #tpu.memory_space<vmem>>, vector<16xf32>,
        tpu.vector_store %arg9[%swap3A_322, %swap3A_323], %add3A_318 {strides = array<i32>} : memref<64x512xf32, #tpu.memory_space<vmem>>, vector<16xf32>,
        %add3A_325 = arith.constant 4896 : i32
        %add3A_326 = vector.broadcast %add3A_325 : i32 to vector<16xi32>
        %add3A_327 = arith.addi %min3A_63, %add3A_326 : vector<16xi32>
        %gather3A_328 = tpu.vector_load_idx %arg6[%add3A_327] : memref<18432xf32, #tpu.memory_space<vmem>>[vector<16xi32>], vector<16xf32>,
        %add3A_329 = arith.constant 119 : i32
        %add3A_330 = vector.broadcast %add3A_329 : i32 to vector<16xi32>
        %add3A_331 = arith.addi %min3A_70, %add3A_330 : vector<16xi32>
        %gather3A_332 = tpu.vector_load_idx %arg7[%add3A_331] : memref<448xf32, #tpu.memory_space<vmem>>[vector<16xi32>], vector<16xf32>,
        %add3A_333 = arith.addf %gather3A_328, %gather3A_332 : vector<16xf32>
        %mul3A_334 = arith.constant 16 : i32
        %mul3A_335 = arith.muli %scan3A_51, %mul3A_334 : i32
        %swap3A_336 = arith.constant 17 : i32
        %swap3A_337 = arith.index_cast %swap3A_336 : i32 to index
        %swap3A_338 = arith.index_cast %mul3A_335 : i32 to index
        %swap3A_339 = tpu.vector_load %arg9[%swap3A_337, %swap3A_338] {strides = array<i32>} : memref<64x512xf32, #tpu.memory_space<vmem>>, vector<16xf32>,
        tpu.vector_store %arg9[%swap3A_337, %swap3A_338], %add3A_333 {strides = array<i32>} : memref<64x512xf32, #tpu.memory_space<vmem>>, vector<16xf32>,
        %add3A_340 = arith.constant 5184 : i32
        %add3A_341 = vector.broadcast %add3A_340 : i32 to vector<16xi32>
        %add3A_342 = arith.addi %min3A_63, %add3A_341 : vector<16xi32>
        %gather3A_343 = tpu.vector_load_idx %arg6[%add3A_342] : memref<18432xf32, #tpu.memory_space<vmem>>[vector<16xi32>], vector<16xf32>,
        %add3A_344 = arith.constant 126 : i32
        %add3A_345 = vector.broadcast %add3A_344 : i32 to vector<16xi32>
        %add3A_346 = arith.addi %min3A_70, %add3A_345 : vector<16xi32>
        %gather3A_347 = tpu.vector_load_idx %arg7[%add3A_346] : memref<448xf32, #tpu.memory_space<vmem>>[vector<16xi32>], vector<16xf32>,
        %add3A_348 = arith.addf %gather3A_343, %gather3A_347 : vector<16xf32>
        %mul3A_349 = arith.constant 16 : i32
        %mul3A_350 = arith.muli %scan3A_51, %mul3A_349 : i32
        %swap3A_351 = arith.constant 18 : i32
        %swap3A_352 = arith.index_cast %swap3A_351 : i32 to index
        %swap3A_353 = arith.index_cast %mul3A_350 : i32 to index
        %swap3A_354 = tpu.vector_load %arg9[%swap3A_352, %swap3A_353] {strides = array<i32>} : memref<64x512xf32, #tpu.memory_space<vmem>>, vector<16xf32>,
        tpu.vector_store %arg9[%swap3A_352, %swap3A_353], %add3A_348 {strides = array<i32>} : memref<64x512xf32, #tpu.memory_space<vmem>>, vector<16xf32>,
        %add3A_355 = arith.constant 5472 : i32
        %add3A_356 = vector.broadcast %add3A_355 : i32 to vector<16xi32>
        %add3A_357 = arith.addi %min3A_63, %add3A_356 : vector<16xi32>
        %gather3A_358 = tpu.vector_load_idx %arg6[%add3A_357] : memref<18432xf32, #tpu.memory_space<vmem>>[vector<16xi32>], vector<16xf32>,
        %add3A_359 = arith.constant 133 : i32
        %add3A_360 = vector.broadcast %add3A_359 : i32 to vector<16xi32>
        %add3A_361 = arith.addi %min3A_70, %add3A_360 : vector<16xi32>
        %gather3A_362 = tpu.vector_load_idx %arg7[%add3A_361] : memref<448xf32, #tpu.memory_space<vmem>>[vector<16xi32>], vector<16xf32>,
        %add3A_363 = arith.addf %gather3A_358, %gather3A_362 : vector<16xf32>
        %mul3A_364 = arith.constant 16 : i32
        %mul3A_365 = arith.muli %scan3A_51, %mul3A_364 : i32
        %swap3A_366 = arith.constant 19 : i32
        %swap3A_367 = arith.index_cast %swap3A_366 : i32 to index
        %swap3A_368 = arith.index_cast %mul3A_365 : i32 to index
        %swap3A_369 = tpu.vector_load %arg9[%swap3A_367, %swap3A_368] {strides = array<i32>} : memref<64x512xf32, #tpu.memory_space<vmem>>, vector<16xf32>,
        tpu.vector_store %arg9[%swap3A_367, %swap3A_368], %add3A_363 {strides = array<i32>} : memref<64x512xf32, #tpu.memory_space<vmem>>, vector<16xf32>,
        %add3A_370 = arith.constant 5760 : i32
        %add3A_371 = vector.broadcast %add3A_370 : i32 to vector<16xi32>
        %add3A_372 = arith.addi %min3A_63, %add3A_371 : vector<16xi32>
        %gather3A_373 = tpu.vector_load_idx %arg6[%add3A_372] : memref<18432xf32, #tpu.memory_space<vmem>>[vector<16xi32>], vector<16xf32>,
        %add3A_374 = arith.constant 140 : i32
        %add3A_375 = vector.broadcast %add3A_374 : i32 to vector<16xi32>
        %add3A_376 = arith.addi %min3A_70, %add3A_375 : vector<16xi32>
        %gather3A_377 = tpu.vector_load_idx %arg7[%add3A_376] : memref<448xf32, #tpu.memory_space<vmem>>[vector<16xi32>], vector<16xf32>,
        %add3A_378 = arith.addf %gather3A_373, %gather3A_377 : vector<16xf32>
        %mul3A_379 = arith.constant 16 : i32
        %mul3A_380 = arith.muli %scan3A_51, %mul3A_379 : i32
        %swap3A_381 = arith.constant 20 : i32
        %swap3A_382 = arith.index_cast %swap3A_381 : i32 to index
        %swap3A_383 = arith.index_cast %mul3A_380 : i32 to index
        %swap3A_384 = tpu.vector_load %arg9[%swap3A_382, %swap3A_383] {strides = array<i32>} : memref<64x512xf32, #tpu.memory_space<vmem>>, vector<16xf32>,
        tpu.vector_store %arg9[%swap3A_382, %swap3A_383], %add3A_378 {strides = array<i32>} : memref<64x512xf32, #tpu.memory_space<vmem>>, vector<16xf32>,
        %add3A_385 = arith.constant 6048 : i32
        %add3A_386 = vector.broadcast %add3A_385 : i32 to vector<16xi32>
        %add3A_387 = arith.addi %min3A_63, %add3A_386 : vector<16xi32>
        %gather3A_388 = tpu.vector_load_idx %arg6[%add3A_387] : memref<18432xf32, #tpu.memory_space<vmem>>[vector<16xi32>], vector<16xf32>,
        %add3A_389 = arith.constant 147 : i32
        %add3A_390 = vector.broadcast %add3A_389 : i32 to vector<16xi32>
        %add3A_391 = arith.addi %min3A_70, %add3A_390 : vector<16xi32>
        %gather3A_392 = tpu.vector_load_idx %arg7[%add3A_391] : memref<448xf32, #tpu.memory_space<vmem>>[vector<16xi32>], vector<16xf32>,
        %add3A_393 = arith.addf %gather3A_388, %gather3A_392 : vector<16xf32>
        %mul3A_394 = arith.constant 16 : i32
        %mul3A_395 = arith.muli %scan3A_51, %mul3A_394 : i32
        %swap3A_396 = arith.constant 21 : i32
        %swap3A_397 = arith.index_cast %swap3A_396 : i32 to index
        %swap3A_398 = arith.index_cast %mul3A_395 : i32 to index
        %swap3A_399 = tpu.vector_load %arg9[%swap3A_397, %swap3A_398] {strides = array<i32>} : memref<64x512xf32, #tpu.memory_space<vmem>>, vector<16xf32>,
        tpu.vector_store %arg9[%swap3A_397, %swap3A_398], %add3A_393 {strides = array<i32>} : memref<64x512xf32, #tpu.memory_space<vmem>>, vector<16xf32>,
        %add3A_400 = arith.constant 6336 : i32
        %add3A_401 = vector.broadcast %add3A_400 : i32 to vector<16xi32>
        %add3A_402 = arith.addi %min3A_63, %add3A_401 : vector<16xi32>
        %gather3A_403 = tpu.vector_load_idx %arg6[%add3A_402] : memref<18432xf32, #tpu.memory_space<vmem>>[vector<16xi32>], vector<16xf32>,
        %add3A_404 = arith.constant 154 : i32
        %add3A_405 = vector.broadcast %add3A_404 : i32 to vector<16xi32>
        %add3A_406 = arith.addi %min3A_70, %add3A_405 : vector<16xi32>
        %gather3A_407 = tpu.vector_load_idx %arg7[%add3A_406] : memref<448xf32, #tpu.memory_space<vmem>>[vector<16xi32>], vector<16xf32>,
        %add3A_408 = arith.addf %gather3A_403, %gather3A_407 : vector<16xf32>
        %mul3A_409 = arith.constant 16 : i32
        %mul3A_410 = arith.muli %scan3A_51, %mul3A_409 : i32
        %swap3A_411 = arith.constant 22 : i32
        %swap3A_412 = arith.index_cast %swap3A_411 : i32 to index
        %swap3A_413 = arith.index_cast %mul3A_410 : i32 to index
        %swap3A_414 = tpu.vector_load %arg9[%swap3A_412, %swap3A_413] {strides = array<i32>} : memref<64x512xf32, #tpu.memory_space<vmem>>, vector<16xf32>,
        tpu.vector_store %arg9[%swap3A_412, %swap3A_413], %add3A_408 {strides = array<i32>} : memref<64x512xf32, #tpu.memory_space<vmem>>, vector<16xf32>,
        %add3A_415 = arith.constant 6624 : i32
        %add3A_416 = vector.broadcast %add3A_415 : i32 to vector<16xi32>
        %add3A_417 = arith.addi %min3A_63, %add3A_416 : vector<16xi32>
        %gather3A_418 = tpu.vector_load_idx %arg6[%add3A_417] : memref<18432xf32, #tpu.memory_space<vmem>>[vector<16xi32>], vector<16xf32>,
        %add3A_419 = arith.constant 161 : i32
        %add3A_420 = vector.broadcast %add3A_419 : i32 to vector<16xi32>
        %add3A_421 = arith.addi %min3A_70, %add3A_420 : vector<16xi32>
        %gather3A_422 = tpu.vector_load_idx %arg7[%add3A_421] : memref<448xf32, #tpu.memory_space<vmem>>[vector<16xi32>], vector<16xf32>,
        %add3A_423 = arith.addf %gather3A_418, %gather3A_422 : vector<16xf32>
        %mul3A_424 = arith.constant 16 : i32
        %mul3A_425 = arith.muli %scan3A_51, %mul3A_424 : i32
        %swap3A_426 = arith.constant 23 : i32
        %swap3A_427 = arith.index_cast %swap3A_426 : i32 to index
        %swap3A_428 = arith.index_cast %mul3A_425 : i32 to index
        %swap3A_429 = tpu.vector_load %arg9[%swap3A_427, %swap3A_428] {strides = array<i32>} : memref<64x512xf32, #tpu.memory_space<vmem>>, vector<16xf32>,
        tpu.vector_store %arg9[%swap3A_427, %swap3A_428], %add3A_423 {strides = array<i32>} : memref<64x512xf32, #tpu.memory_space<vmem>>, vector<16xf32>,
        %add3A_430 = arith.constant 6912 : i32
        %add3A_431 = vector.broadcast %add3A_430 : i32 to vector<16xi32>
        %add3A_432 = arith.addi %min3A_63, %add3A_431 : vector<16xi32>
        %gather3A_433 = tpu.vector_load_idx %arg6[%add3A_432] : memref<18432xf32, #tpu.memory_space<vmem>>[vector<16xi32>], vector<16xf32>,
        %add3A_434 = arith.constant 168 : i32
        %add3A_435 = vector.broadcast %add3A_434 : i32 to vector<16xi32>
        %add3A_436 = arith.addi %min3A_70, %add3A_435 : vector<16xi32>
        %gather3A_437 = tpu.vector_load_idx %arg7[%add3A_436] : memref<448xf32, #tpu.memory_space<vmem>>[vector<16xi32>], vector<16xf32>,
        %add3A_438 = arith.addf %gather3A_433, %gather3A_437 : vector<16xf32>
        %mul3A_439 = arith.constant 16 : i32
        %mul3A_440 = arith.muli %scan3A_51, %mul3A_439 : i32
        %swap3A_441 = arith.constant 24 : i32
        %swap3A_442 = arith.index_cast %swap3A_441 : i32 to index
        %swap3A_443 = arith.index_cast %mul3A_440 : i32 to index
        %swap3A_444 = tpu.vector_load %arg9[%swap3A_442, %swap3A_443] {strides = array<i32>} : memref<64x512xf32, #tpu.memory_space<vmem>>, vector<16xf32>,
        tpu.vector_store %arg9[%swap3A_442, %swap3A_443], %add3A_438 {strides = array<i32>} : memref<64x512xf32, #tpu.memory_space<vmem>>, vector<16xf32>,
        %add3A_445 = arith.constant 7200 : i32
        %add3A_446 = vector.broadcast %add3A_445 : i32 to vector<16xi32>
        %add3A_447 = arith.addi %min3A_63, %add3A_446 : vector<16xi32>
        %gather3A_448 = tpu.vector_load_idx %arg6[%add3A_447] : memref<18432xf32, #tpu.memory_space<vmem>>[vector<16xi32>], vector<16xf32>,
        %add3A_449 = arith.constant 175 : i32
        %add3A_450 = vector.broadcast %add3A_449 : i32 to vector<16xi32>
        %add3A_451 = arith.addi %min3A_70, %add3A_450 : vector<16xi32>
        %gather3A_452 = tpu.vector_load_idx %arg7[%add3A_451] : memref<448xf32, #tpu.memory_space<vmem>>[vector<16xi32>], vector<16xf32>,
        %add3A_453 = arith.addf %gather3A_448, %gather3A_452 : vector<16xf32>
        %mul3A_454 = arith.constant 16 : i32
        %mul3A_455 = arith.muli %scan3A_51, %mul3A_454 : i32
        %swap3A_456 = arith.constant 25 : i32
        %swap3A_457 = arith.index_cast %swap3A_456 : i32 to index
        %swap3A_458 = arith.index_cast %mul3A_455 : i32 to index
        %swap3A_459 = tpu.vector_load %arg9[%swap3A_457, %swap3A_458] {strides = array<i32>} : memref<64x512xf32, #tpu.memory_space<vmem>>, vector<16xf32>,
        tpu.vector_store %arg9[%swap3A_457, %swap3A_458], %add3A_453 {strides = array<i32>} : memref<64x512xf32, #tpu.memory_space<vmem>>, vector<16xf32>,
        %add3A_460 = arith.constant 7488 : i32
        %add3A_461 = vector.broadcast %add3A_460 : i32 to vector<16xi32>
        %add3A_462 = arith.addi %min3A_63, %add3A_461 : vector<16xi32>
        %gather3A_463 = tpu.vector_load_idx %arg6[%add3A_462] : memref<18432xf32, #tpu.memory_space<vmem>>[vector<16xi32>], vector<16xf32>,
        %add3A_464 = arith.constant 182 : i32
        %add3A_465 = vector.broadcast %add3A_464 : i32 to vector<16xi32>
        %add3A_466 = arith.addi %min3A_70, %add3A_465 : vector<16xi32>
        %gather3A_467 = tpu.vector_load_idx %arg7[%add3A_466] : memref<448xf32, #tpu.memory_space<vmem>>[vector<16xi32>], vector<16xf32>,
        %add3A_468 = arith.addf %gather3A_463, %gather3A_467 : vector<16xf32>
        %mul3A_469 = arith.constant 16 : i32
        %mul3A_470 = arith.muli %scan3A_51, %mul3A_469 : i32
        %swap3A_471 = arith.constant 26 : i32
        %swap3A_472 = arith.index_cast %swap3A_471 : i32 to index
        %swap3A_473 = arith.index_cast %mul3A_470 : i32 to index
        %swap3A_474 = tpu.vector_load %arg9[%swap3A_472, %swap3A_473] {strides = array<i32>} : memref<64x512xf32, #tpu.memory_space<vmem>>, vector<16xf32>,
        tpu.vector_store %arg9[%swap3A_472, %swap3A_473], %add3A_468 {strides = array<i32>} : memref<64x512xf32, #tpu.memory_space<vmem>>, vector<16xf32>,
        %add3A_475 = arith.constant 7776 : i32
        %add3A_476 = vector.broadcast %add3A_475 : i32 to vector<16xi32>
        %add3A_477 = arith.addi %min3A_63, %add3A_476 : vector<16xi32>
        %gather3A_478 = tpu.vector_load_idx %arg6[%add3A_477] : memref<18432xf32, #tpu.memory_space<vmem>>[vector<16xi32>], vector<16xf32>,
        %add3A_479 = arith.constant 189 : i32
        %add3A_480 = vector.broadcast %add3A_479 : i32 to vector<16xi32>
        %add3A_481 = arith.addi %min3A_70, %add3A_480 : vector<16xi32>
        %gather3A_482 = tpu.vector_load_idx %arg7[%add3A_481] : memref<448xf32, #tpu.memory_space<vmem>>[vector<16xi32>], vector<16xf32>,
        %add3A_483 = arith.addf %gather3A_478, %gather3A_482 : vector<16xf32>
        %mul3A_484 = arith.constant 16 : i32
        %mul3A_485 = arith.muli %scan3A_51, %mul3A_484 : i32
        %swap3A_486 = arith.constant 27 : i32
        %swap3A_487 = arith.index_cast %swap3A_486 : i32 to index
        %swap3A_488 = arith.index_cast %mul3A_485 : i32 to index
        %swap3A_489 = tpu.vector_load %arg9[%swap3A_487, %swap3A_488] {strides = array<i32>} : memref<64x512xf32, #tpu.memory_space<vmem>>, vector<16xf32>,
        tpu.vector_store %arg9[%swap3A_487, %swap3A_488], %add3A_483 {strides = array<i32>} : memref<64x512xf32, #tpu.memory_space<vmem>>, vector<16xf32>,
        %add3A_490 = arith.constant 8064 : i32
        %add3A_491 = vector.broadcast %add3A_490 : i32 to vector<16xi32>
        %add3A_492 = arith.addi %min3A_63, %add3A_491 : vector<16xi32>
        %gather3A_493 = tpu.vector_load_idx %arg6[%add3A_492] : memref<18432xf32, #tpu.memory_space<vmem>>[vector<16xi32>], vector<16xf32>,
        %add3A_494 = arith.constant 196 : i32
        %add3A_495 = vector.broadcast %add3A_494 : i32 to vector<16xi32>
        %add3A_496 = arith.addi %min3A_70, %add3A_495 : vector<16xi32>
        %gather3A_497 = tpu.vector_load_idx %arg7[%add3A_496] : memref<448xf32, #tpu.memory_space<vmem>>[vector<16xi32>], vector<16xf32>,
        %add3A_498 = arith.addf %gather3A_493, %gather3A_497 : vector<16xf32>
        %mul3A_499 = arith.constant 16 : i32
        %mul3A_500 = arith.muli %scan3A_51, %mul3A_499 : i32
        %swap3A_501 = arith.constant 28 : i32
        %swap3A_502 = arith.index_cast %swap3A_501 : i32 to index
        %swap3A_503 = arith.index_cast %mul3A_500 : i32 to index
        %swap3A_504 = tpu.vector_load %arg9[%swap3A_502, %swap3A_503] {strides = array<i32>} : memref<64x512xf32, #tpu.memory_space<vmem>>, vector<16xf32>,
        tpu.vector_store %arg9[%swap3A_502, %swap3A_503], %add3A_498 {strides = array<i32>} : memref<64x512xf32, #tpu.memory_space<vmem>>, vector<16xf32>,
        %add3A_505 = arith.constant 8352 : i32
        %add3A_506 = vector.broadcast %add3A_505 : i32 to vector<16xi32>
        %add3A_507 = arith.addi %min3A_63, %add3A_506 : vector<16xi32>
        %gather3A_508 = tpu.vector_load_idx %arg6[%add3A_507] : memref<18432xf32, #tpu.memory_space<vmem>>[vector<16xi32>], vector<16xf32>,
        %add3A_509 = arith.constant 203 : i32
        %add3A_510 = vector.broadcast %add3A_509 : i32 to vector<16xi32>
        %add3A_511 = arith.addi %min3A_70, %add3A_510 : vector<16xi32>
        %gather3A_512 = tpu.vector_load_idx %arg7[%add3A_511] : memref<448xf32, #tpu.memory_space<vmem>>[vector<16xi32>], vector<16xf32>,
        %add3A_513 = arith.addf %gather3A_508, %gather3A_512 : vector<16xf32>
        %mul3A_514 = arith.constant 16 : i32
        %mul3A_515 = arith.muli %scan3A_51, %mul3A_514 : i32
        %swap3A_516 = arith.constant 29 : i32
        %swap3A_517 = arith.index_cast %swap3A_516 : i32 to index
        %swap3A_518 = arith.index_cast %mul3A_515 : i32 to index
        %swap3A_519 = tpu.vector_load %arg9[%swap3A_517, %swap3A_518] {strides = array<i32>} : memref<64x512xf32, #tpu.memory_space<vmem>>, vector<16xf32>,
        tpu.vector_store %arg9[%swap3A_517, %swap3A_518], %add3A_513 {strides = array<i32>} : memref<64x512xf32, #tpu.memory_space<vmem>>, vector<16xf32>,
        %add3A_520 = arith.constant 8640 : i32
        %add3A_521 = vector.broadcast %add3A_520 : i32 to vector<16xi32>
        %add3A_522 = arith.addi %min3A_63, %add3A_521 : vector<16xi32>
        %gather3A_523 = tpu.vector_load_idx %arg6[%add3A_522] : memref<18432xf32, #tpu.memory_space<vmem>>[vector<16xi32>], vector<16xf32>,
        %add3A_524 = arith.constant 210 : i32
        %add3A_525 = vector.broadcast %add3A_524 : i32 to vector<16xi32>
        %add3A_526 = arith.addi %min3A_70, %add3A_525 : vector<16xi32>
        %gather3A_527 = tpu.vector_load_idx %arg7[%add3A_526] : memref<448xf32, #tpu.memory_space<vmem>>[vector<16xi32>], vector<16xf32>,
        %add3A_528 = arith.addf %gather3A_523, %gather3A_527 : vector<16xf32>
        %mul3A_529 = arith.constant 16 : i32
        %mul3A_530 = arith.muli %scan3A_51, %mul3A_529 : i32
        %swap3A_531 = arith.constant 30 : i32
        %swap3A_532 = arith.index_cast %swap3A_531 : i32 to index
        %swap3A_533 = arith.index_cast %mul3A_530 : i32 to index
        %swap3A_534 = tpu.vector_load %arg9[%swap3A_532, %swap3A_533] {strides = array<i32>} : memref<64x512xf32, #tpu.memory_space<vmem>>, vector<16xf32>,
        tpu.vector_store %arg9[%swap3A_532, %swap3A_533], %add3A_528 {strides = array<i32>} : memref<64x512xf32, #tpu.memory_space<vmem>>, vector<16xf32>,
        %add3A_535 = arith.constant 8928 : i32
        %add3A_536 = vector.broadcast %add3A_535 : i32 to vector<16xi32>
        %add3A_537 = arith.addi %min3A_63, %add3A_536 : vector<16xi32>
        %gather3A_538 = tpu.vector_load_idx %arg6[%add3A_537] : memref<18432xf32, #tpu.memory_space<vmem>>[vector<16xi32>], vector<16xf32>,
        %add3A_539 = arith.constant 217 : i32
        %add3A_540 = vector.broadcast %add3A_539 : i32 to vector<16xi32>
        %add3A_541 = arith.addi %min3A_70, %add3A_540 : vector<16xi32>
        %gather3A_542 = tpu.vector_load_idx %arg7[%add3A_541] : memref<448xf32, #tpu.memory_space<vmem>>[vector<16xi32>], vector<16xf32>,
        %add3A_543 = arith.addf %gather3A_538, %gather3A_542 : vector<16xf32>
        %mul3A_544 = arith.constant 16 : i32
        %mul3A_545 = arith.muli %scan3A_51, %mul3A_544 : i32
        %swap3A_546 = arith.constant 31 : i32
        %swap3A_547 = arith.index_cast %swap3A_546 : i32 to index
        %swap3A_548 = arith.index_cast %mul3A_545 : i32 to index
        %swap3A_549 = tpu.vector_load %arg9[%swap3A_547, %swap3A_548] {strides = array<i32>} : memref<64x512xf32, #tpu.memory_space<vmem>>, vector<16xf32>,
        tpu.vector_store %arg9[%swap3A_547, %swap3A_548], %add3A_543 {strides = array<i32>} : memref<64x512xf32, #tpu.memory_space<vmem>>, vector<16xf32>,
        %add3A_550 = arith.constant 9216 : i32
        %add3A_551 = vector.broadcast %add3A_550 : i32 to vector<16xi32>
        %add3A_552 = arith.addi %min3A_63, %add3A_551 : vector<16xi32>
        %gather3A_553 = tpu.vector_load_idx %arg6[%add3A_552] : memref<18432xf32, #tpu.memory_space<vmem>>[vector<16xi32>], vector<16xf32>,
        %add3A_554 = arith.constant 224 : i32
        %add3A_555 = vector.broadcast %add3A_554 : i32 to vector<16xi32>
        %add3A_556 = arith.addi %min3A_70, %add3A_555 : vector<16xi32>
        %gather3A_557 = tpu.vector_load_idx %arg7[%add3A_556] : memref<448xf32, #tpu.memory_space<vmem>>[vector<16xi32>], vector<16xf32>,
        %add3A_558 = arith.addf %gather3A_553, %gather3A_557 : vector<16xf32>
        %mul3A_559 = arith.constant 16 : i32
        %mul3A_560 = arith.muli %scan3A_51, %mul3A_559 : i32
        %swap3A_561 = arith.constant 32 : i32
        %swap3A_562 = arith.index_cast %swap3A_561 : i32 to index
        %swap3A_563 = arith.index_cast %mul3A_560 : i32 to index
        %swap3A_564 = tpu.vector_load %arg9[%swap3A_562, %swap3A_563] {strides = array<i32>} : memref<64x512xf32, #tpu.memory_space<vmem>>, vector<16xf32>,
        tpu.vector_store %arg9[%swap3A_562, %swap3A_563], %add3A_558 {strides = array<i32>} : memref<64x512xf32, #tpu.memory_space<vmem>>, vector<16xf32>,
        %add3A_565 = arith.constant 9504 : i32
        %add3A_566 = vector.broadcast %add3A_565 : i32 to vector<16xi32>
        %add3A_567 = arith.addi %min3A_63, %add3A_566 : vector<16xi32>
        %gather3A_568 = tpu.vector_load_idx %arg6[%add3A_567] : memref<18432xf32, #tpu.memory_space<vmem>>[vector<16xi32>], vector<16xf32>,
        %add3A_569 = arith.constant 231 : i32
        %add3A_570 = vector.broadcast %add3A_569 : i32 to vector<16xi32>
        %add3A_571 = arith.addi %min3A_70, %add3A_570 : vector<16xi32>
        %gather3A_572 = tpu.vector_load_idx %arg7[%add3A_571] : memref<448xf32, #tpu.memory_space<vmem>>[vector<16xi32>], vector<16xf32>,
        %add3A_573 = arith.addf %gather3A_568, %gather3A_572 : vector<16xf32>
        %mul3A_574 = arith.constant 16 : i32
        %mul3A_575 = arith.muli %scan3A_51, %mul3A_574 : i32
        %swap3A_576 = arith.constant 33 : i32
        %swap3A_577 = arith.index_cast %swap3A_576 : i32 to index
        %swap3A_578 = arith.index_cast %mul3A_575 : i32 to index
        %swap3A_579 = tpu.vector_load %arg9[%swap3A_577, %swap3A_578] {strides = array<i32>} : memref<64x512xf32, #tpu.memory_space<vmem>>, vector<16xf32>,
        tpu.vector_store %arg9[%swap3A_577, %swap3A_578], %add3A_573 {strides = array<i32>} : memref<64x512xf32, #tpu.memory_space<vmem>>, vector<16xf32>,
        %add3A_580 = arith.constant 9792 : i32
        %add3A_581 = vector.broadcast %add3A_580 : i32 to vector<16xi32>
        %add3A_582 = arith.addi %min3A_63, %add3A_581 : vector<16xi32>
        %gather3A_583 = tpu.vector_load_idx %arg6[%add3A_582] : memref<18432xf32, #tpu.memory_space<vmem>>[vector<16xi32>], vector<16xf32>,
        %add3A_584 = arith.constant 238 : i32
        %add3A_585 = vector.broadcast %add3A_584 : i32 to vector<16xi32>
        %add3A_586 = arith.addi %min3A_70, %add3A_585 : vector<16xi32>
        %gather3A_587 = tpu.vector_load_idx %arg7[%add3A_586] : memref<448xf32, #tpu.memory_space<vmem>>[vector<16xi32>], vector<16xf32>,
        %add3A_588 = arith.addf %gather3A_583, %gather3A_587 : vector<16xf32>
        %mul3A_589 = arith.constant 16 : i32
        %mul3A_590 = arith.muli %scan3A_51, %mul3A_589 : i32
        %swap3A_591 = arith.constant 34 : i32
        %swap3A_592 = arith.index_cast %swap3A_591 : i32 to index
        %swap3A_593 = arith.index_cast %mul3A_590 : i32 to index
        %swap3A_594 = tpu.vector_load %arg9[%swap3A_592, %swap3A_593] {strides = array<i32>} : memref<64x512xf32, #tpu.memory_space<vmem>>, vector<16xf32>,
        tpu.vector_store %arg9[%swap3A_592, %swap3A_593], %add3A_588 {strides = array<i32>} : memref<64x512xf32, #tpu.memory_space<vmem>>, vector<16xf32>,
        %add3A_595 = arith.constant 10080 : i32
        %add3A_596 = vector.broadcast %add3A_595 : i32 to vector<16xi32>
        %add3A_597 = arith.addi %min3A_63, %add3A_596 : vector<16xi32>
        %gather3A_598 = tpu.vector_load_idx %arg6[%add3A_597] : memref<18432xf32, #tpu.memory_space<vmem>>[vector<16xi32>], vector<16xf32>,
        %add3A_599 = arith.constant 245 : i32
        %add3A_600 = vector.broadcast %add3A_599 : i32 to vector<16xi32>
        %add3A_601 = arith.addi %min3A_70, %add3A_600 : vector<16xi32>
        %gather3A_602 = tpu.vector_load_idx %arg7[%add3A_601] : memref<448xf32, #tpu.memory_space<vmem>>[vector<16xi32>], vector<16xf32>,
        %add3A_603 = arith.addf %gather3A_598, %gather3A_602 : vector<16xf32>
        %mul3A_604 = arith.constant 16 : i32
        %mul3A_605 = arith.muli %scan3A_51, %mul3A_604 : i32
        %swap3A_606 = arith.constant 35 : i32
        %swap3A_607 = arith.index_cast %swap3A_606 : i32 to index
        %swap3A_608 = arith.index_cast %mul3A_605 : i32 to index
        %swap3A_609 = tpu.vector_load %arg9[%swap3A_607, %swap3A_608] {strides = array<i32>} : memref<64x512xf32, #tpu.memory_space<vmem>>, vector<16xf32>,
        tpu.vector_store %arg9[%swap3A_607, %swap3A_608], %add3A_603 {strides = array<i32>} : memref<64x512xf32, #tpu.memory_space<vmem>>, vector<16xf32>,
        %add3A_610 = arith.constant 10368 : i32
        %add3A_611 = vector.broadcast %add3A_610 : i32 to vector<16xi32>
        %add3A_612 = arith.addi %min3A_63, %add3A_611 : vector<16xi32>
        %gather3A_613 = tpu.vector_load_idx %arg6[%add3A_612] : memref<18432xf32, #tpu.memory_space<vmem>>[vector<16xi32>], vector<16xf32>,
        %add3A_614 = arith.constant 252 : i32
        %add3A_615 = vector.broadcast %add3A_614 : i32 to vector<16xi32>
        %add3A_616 = arith.addi %min3A_70, %add3A_615 : vector<16xi32>
        %gather3A_617 = tpu.vector_load_idx %arg7[%add3A_616] : memref<448xf32, #tpu.memory_space<vmem>>[vector<16xi32>], vector<16xf32>,
        %add3A_618 = arith.addf %gather3A_613, %gather3A_617 : vector<16xf32>
        %mul3A_619 = arith.constant 16 : i32
        %mul3A_620 = arith.muli %scan3A_51, %mul3A_619 : i32
        %swap3A_621 = arith.constant 36 : i32
        %swap3A_622 = arith.index_cast %swap3A_621 : i32 to index
        %swap3A_623 = arith.index_cast %mul3A_620 : i32 to index
        %swap3A_624 = tpu.vector_load %arg9[%swap3A_622, %swap3A_623] {strides = array<i32>} : memref<64x512xf32, #tpu.memory_space<vmem>>, vector<16xf32>,
        tpu.vector_store %arg9[%swap3A_622, %swap3A_623], %add3A_618 {strides = array<i32>} : memref<64x512xf32, #tpu.memory_space<vmem>>, vector<16xf32>,
        %add3A_625 = arith.constant 10656 : i32
        %add3A_626 = vector.broadcast %add3A_625 : i32 to vector<16xi32>
        %add3A_627 = arith.addi %min3A_63, %add3A_626 : vector<16xi32>
        %gather3A_628 = tpu.vector_load_idx %arg6[%add3A_627] : memref<18432xf32, #tpu.memory_space<vmem>>[vector<16xi32>], vector<16xf32>,
        %add3A_629 = arith.constant 259 : i32
        %add3A_630 = vector.broadcast %add3A_629 : i32 to vector<16xi32>
        %add3A_631 = arith.addi %min3A_70, %add3A_630 : vector<16xi32>
        %gather3A_632 = tpu.vector_load_idx %arg7[%add3A_631] : memref<448xf32, #tpu.memory_space<vmem>>[vector<16xi32>], vector<16xf32>,
        %add3A_633 = arith.addf %gather3A_628, %gather3A_632 : vector<16xf32>
        %mul3A_634 = arith.constant 16 : i32
        %mul3A_635 = arith.muli %scan3A_51, %mul3A_634 : i32
        %swap3A_636 = arith.constant 37 : i32
        %swap3A_637 = arith.index_cast %swap3A_636 : i32 to index
        %swap3A_638 = arith.index_cast %mul3A_635 : i32 to index
        %swap3A_639 = tpu.vector_load %arg9[%swap3A_637, %swap3A_638] {strides = array<i32>} : memref<64x512xf32, #tpu.memory_space<vmem>>, vector<16xf32>,
        tpu.vector_store %arg9[%swap3A_637, %swap3A_638], %add3A_633 {strides = array<i32>} : memref<64x512xf32, #tpu.memory_space<vmem>>, vector<16xf32>,
        %add3A_640 = arith.constant 10944 : i32
        %add3A_641 = vector.broadcast %add3A_640 : i32 to vector<16xi32>
        %add3A_642 = arith.addi %min3A_63, %add3A_641 : vector<16xi32>
        %gather3A_643 = tpu.vector_load_idx %arg6[%add3A_642] : memref<18432xf32, #tpu.memory_space<vmem>>[vector<16xi32>], vector<16xf32>,
        %add3A_644 = arith.constant 266 : i32
        %add3A_645 = vector.broadcast %add3A_644 : i32 to vector<16xi32>
        %add3A_646 = arith.addi %min3A_70, %add3A_645 : vector<16xi32>
        %gather3A_647 = tpu.vector_load_idx %arg7[%add3A_646] : memref<448xf32, #tpu.memory_space<vmem>>[vector<16xi32>], vector<16xf32>,
        %add3A_648 = arith.addf %gather3A_643, %gather3A_647 : vector<16xf32>
        %mul3A_649 = arith.constant 16 : i32
        %mul3A_650 = arith.muli %scan3A_51, %mul3A_649 : i32
        %swap3A_651 = arith.constant 38 : i32
        %swap3A_652 = arith.index_cast %swap3A_651 : i32 to index
        %swap3A_653 = arith.index_cast %mul3A_650 : i32 to index
        %swap3A_654 = tpu.vector_load %arg9[%swap3A_652, %swap3A_653] {strides = array<i32>} : memref<64x512xf32, #tpu.memory_space<vmem>>, vector<16xf32>,
        tpu.vector_store %arg9[%swap3A_652, %swap3A_653], %add3A_648 {strides = array<i32>} : memref<64x512xf32, #tpu.memory_space<vmem>>, vector<16xf32>,
        %add3A_655 = arith.constant 11232 : i32
        %add3A_656 = vector.broadcast %add3A_655 : i32 to vector<16xi32>
        %add3A_657 = arith.addi %min3A_63, %add3A_656 : vector<16xi32>
        %gather3A_658 = tpu.vector_load_idx %arg6[%add3A_657] : memref<18432xf32, #tpu.memory_space<vmem>>[vector<16xi32>], vector<16xf32>,
        %add3A_659 = arith.constant 273 : i32
        %add3A_660 = vector.broadcast %add3A_659 : i32 to vector<16xi32>
        %add3A_661 = arith.addi %min3A_70, %add3A_660 : vector<16xi32>
        %gather3A_662 = tpu.vector_load_idx %arg7[%add3A_661] : memref<448xf32, #tpu.memory_space<vmem>>[vector<16xi32>], vector<16xf32>,
        %add3A_663 = arith.addf %gather3A_658, %gather3A_662 : vector<16xf32>
        %mul3A_664 = arith.constant 16 : i32
        %mul3A_665 = arith.muli %scan3A_51, %mul3A_664 : i32
        %swap3A_666 = arith.constant 39 : i32
        %swap3A_667 = arith.index_cast %swap3A_666 : i32 to index
        %swap3A_668 = arith.index_cast %mul3A_665 : i32 to index
        %swap3A_669 = tpu.vector_load %arg9[%swap3A_667, %swap3A_668] {strides = array<i32>} : memref<64x512xf32, #tpu.memory_space<vmem>>, vector<16xf32>,
        tpu.vector_store %arg9[%swap3A_667, %swap3A_668], %add3A_663 {strides = array<i32>} : memref<64x512xf32, #tpu.memory_space<vmem>>, vector<16xf32>,
        %add3A_670 = arith.constant 11520 : i32
        %add3A_671 = vector.broadcast %add3A_670 : i32 to vector<16xi32>
        %add3A_672 = arith.addi %min3A_63, %add3A_671 : vector<16xi32>
        %gather3A_673 = tpu.vector_load_idx %arg6[%add3A_672] : memref<18432xf32, #tpu.memory_space<vmem>>[vector<16xi32>], vector<16xf32>,
        %add3A_674 = arith.constant 280 : i32
        %add3A_675 = vector.broadcast %add3A_674 : i32 to vector<16xi32>
        %add3A_676 = arith.addi %min3A_70, %add3A_675 : vector<16xi32>
        %gather3A_677 = tpu.vector_load_idx %arg7[%add3A_676] : memref<448xf32, #tpu.memory_space<vmem>>[vector<16xi32>], vector<16xf32>,
        %add3A_678 = arith.addf %gather3A_673, %gather3A_677 : vector<16xf32>
        %mul3A_679 = arith.constant 16 : i32
        %mul3A_680 = arith.muli %scan3A_51, %mul3A_679 : i32
        %swap3A_681 = arith.constant 40 : i32
        %swap3A_682 = arith.index_cast %swap3A_681 : i32 to index
        %swap3A_683 = arith.index_cast %mul3A_680 : i32 to index
        %swap3A_684 = tpu.vector_load %arg9[%swap3A_682, %swap3A_683] {strides = array<i32>} : memref<64x512xf32, #tpu.memory_space<vmem>>, vector<16xf32>,
        tpu.vector_store %arg9[%swap3A_682, %swap3A_683], %add3A_678 {strides = array<i32>} : memref<64x512xf32, #tpu.memory_space<vmem>>, vector<16xf32>,
        %add3A_685 = arith.constant 11808 : i32
        %add3A_686 = vector.broadcast %add3A_685 : i32 to vector<16xi32>
        %add3A_687 = arith.addi %min3A_63, %add3A_686 : vector<16xi32>
        %gather3A_688 = tpu.vector_load_idx %arg6[%add3A_687] : memref<18432xf32, #tpu.memory_space<vmem>>[vector<16xi32>], vector<16xf32>,
        %add3A_689 = arith.constant 287 : i32
        %add3A_690 = vector.broadcast %add3A_689 : i32 to vector<16xi32>
        %add3A_691 = arith.addi %min3A_70, %add3A_690 : vector<16xi32>
        %gather3A_692 = tpu.vector_load_idx %arg7[%add3A_691] : memref<448xf32, #tpu.memory_space<vmem>>[vector<16xi32>], vector<16xf32>,
        %add3A_693 = arith.addf %gather3A_688, %gather3A_692 : vector<16xf32>
        %mul3A_694 = arith.constant 16 : i32
        %mul3A_695 = arith.muli %scan3A_51, %mul3A_694 : i32
        %swap3A_696 = arith.constant 41 : i32
        %swap3A_697 = arith.index_cast %swap3A_696 : i32 to index
        %swap3A_698 = arith.index_cast %mul3A_695 : i32 to index
        %swap3A_699 = tpu.vector_load %arg9[%swap3A_697, %swap3A_698] {strides = array<i32>} : memref<64x512xf32, #tpu.memory_space<vmem>>, vector<16xf32>,
        tpu.vector_store %arg9[%swap3A_697, %swap3A_698], %add3A_693 {strides = array<i32>} : memref<64x512xf32, #tpu.memory_space<vmem>>, vector<16xf32>,
        %add3A_700 = arith.constant 12096 : i32
        %add3A_701 = vector.broadcast %add3A_700 : i32 to vector<16xi32>
        %add3A_702 = arith.addi %min3A_63, %add3A_701 : vector<16xi32>
        %gather3A_703 = tpu.vector_load_idx %arg6[%add3A_702] : memref<18432xf32, #tpu.memory_space<vmem>>[vector<16xi32>], vector<16xf32>,
        %add3A_704 = arith.constant 294 : i32
        %add3A_705 = vector.broadcast %add3A_704 : i32 to vector<16xi32>
        %add3A_706 = arith.addi %min3A_70, %add3A_705 : vector<16xi32>
        %gather3A_707 = tpu.vector_load_idx %arg7[%add3A_706] : memref<448xf32, #tpu.memory_space<vmem>>[vector<16xi32>], vector<16xf32>,
        %add3A_708 = arith.addf %gather3A_703, %gather3A_707 : vector<16xf32>
        %mul3A_709 = arith.constant 16 : i32
        %mul3A_710 = arith.muli %scan3A_51, %mul3A_709 : i32
        %swap3A_711 = arith.constant 42 : i32
        %swap3A_712 = arith.index_cast %swap3A_711 : i32 to index
        %swap3A_713 = arith.index_cast %mul3A_710 : i32 to index
        %swap3A_714 = tpu.vector_load %arg9[%swap3A_712, %swap3A_713] {strides = array<i32>} : memref<64x512xf32, #tpu.memory_space<vmem>>, vector<16xf32>,
        tpu.vector_store %arg9[%swap3A_712, %swap3A_713], %add3A_708 {strides = array<i32>} : memref<64x512xf32, #tpu.memory_space<vmem>>, vector<16xf32>,
        %add3A_715 = arith.constant 12384 : i32
        %add3A_716 = vector.broadcast %add3A_715 : i32 to vector<16xi32>
        %add3A_717 = arith.addi %min3A_63, %add3A_716 : vector<16xi32>
        %gather3A_718 = tpu.vector_load_idx %arg6[%add3A_717] : memref<18432xf32, #tpu.memory_space<vmem>>[vector<16xi32>], vector<16xf32>,
        %add3A_719 = arith.constant 301 : i32
        %add3A_720 = vector.broadcast %add3A_719 : i32 to vector<16xi32>
        %add3A_721 = arith.addi %min3A_70, %add3A_720 : vector<16xi32>
        %gather3A_722 = tpu.vector_load_idx %arg7[%add3A_721] : memref<448xf32, #tpu.memory_space<vmem>>[vector<16xi32>], vector<16xf32>,
        %add3A_723 = arith.addf %gather3A_718, %gather3A_722 : vector<16xf32>
        %mul3A_724 = arith.constant 16 : i32
        %mul3A_725 = arith.muli %scan3A_51, %mul3A_724 : i32
        %swap3A_726 = arith.constant 43 : i32
        %swap3A_727 = arith.index_cast %swap3A_726 : i32 to index
        %swap3A_728 = arith.index_cast %mul3A_725 : i32 to index
        %swap3A_729 = tpu.vector_load %arg9[%swap3A_727, %swap3A_728] {strides = array<i32>} : memref<64x512xf32, #tpu.memory_space<vmem>>, vector<16xf32>,
        tpu.vector_store %arg9[%swap3A_727, %swap3A_728], %add3A_723 {strides = array<i32>} : memref<64x512xf32, #tpu.memory_space<vmem>>, vector<16xf32>,
        %add3A_730 = arith.constant 12672 : i32
        %add3A_731 = vector.broadcast %add3A_730 : i32 to vector<16xi32>
        %add3A_732 = arith.addi %min3A_63, %add3A_731 : vector<16xi32>
        %gather3A_733 = tpu.vector_load_idx %arg6[%add3A_732] : memref<18432xf32, #tpu.memory_space<vmem>>[vector<16xi32>], vector<16xf32>,
        %add3A_734 = arith.constant 308 : i32
        %add3A_735 = vector.broadcast %add3A_734 : i32 to vector<16xi32>
        %add3A_736 = arith.addi %min3A_70, %add3A_735 : vector<16xi32>
        %gather3A_737 = tpu.vector_load_idx %arg7[%add3A_736] : memref<448xf32, #tpu.memory_space<vmem>>[vector<16xi32>], vector<16xf32>,
        %add3A_738 = arith.addf %gather3A_733, %gather3A_737 : vector<16xf32>
        %mul3A_739 = arith.constant 16 : i32
        %mul3A_740 = arith.muli %scan3A_51, %mul3A_739 : i32
        %swap3A_741 = arith.constant 44 : i32
        %swap3A_742 = arith.index_cast %swap3A_741 : i32 to index
        %swap3A_743 = arith.index_cast %mul3A_740 : i32 to index
        %swap3A_744 = tpu.vector_load %arg9[%swap3A_742, %swap3A_743] {strides = array<i32>} : memref<64x512xf32, #tpu.memory_space<vmem>>, vector<16xf32>,
        tpu.vector_store %arg9[%swap3A_742, %swap3A_743], %add3A_738 {strides = array<i32>} : memref<64x512xf32, #tpu.memory_space<vmem>>, vector<16xf32>,
        %add3A_745 = arith.constant 12960 : i32
        %add3A_746 = vector.broadcast %add3A_745 : i32 to vector<16xi32>
        %add3A_747 = arith.addi %min3A_63, %add3A_746 : vector<16xi32>
        %gather3A_748 = tpu.vector_load_idx %arg6[%add3A_747] : memref<18432xf32, #tpu.memory_space<vmem>>[vector<16xi32>], vector<16xf32>,
        %add3A_749 = arith.constant 315 : i32
        %add3A_750 = vector.broadcast %add3A_749 : i32 to vector<16xi32>
        %add3A_751 = arith.addi %min3A_70, %add3A_750 : vector<16xi32>
        %gather3A_752 = tpu.vector_load_idx %arg7[%add3A_751] : memref<448xf32, #tpu.memory_space<vmem>>[vector<16xi32>], vector<16xf32>,
        %add3A_753 = arith.addf %gather3A_748, %gather3A_752 : vector<16xf32>
        %mul3A_754 = arith.constant 16 : i32
        %mul3A_755 = arith.muli %scan3A_51, %mul3A_754 : i32
        %swap3A_756 = arith.constant 45 : i32
        %swap3A_757 = arith.index_cast %swap3A_756 : i32 to index
        %swap3A_758 = arith.index_cast %mul3A_755 : i32 to index
        %swap3A_759 = tpu.vector_load %arg9[%swap3A_757, %swap3A_758] {strides = array<i32>} : memref<64x512xf32, #tpu.memory_space<vmem>>, vector<16xf32>,
        tpu.vector_store %arg9[%swap3A_757, %swap3A_758], %add3A_753 {strides = array<i32>} : memref<64x512xf32, #tpu.memory_space<vmem>>, vector<16xf32>,
        %add3A_760 = arith.constant 13248 : i32
        %add3A_761 = vector.broadcast %add3A_760 : i32 to vector<16xi32>
        %add3A_762 = arith.addi %min3A_63, %add3A_761 : vector<16xi32>
        %gather3A_763 = tpu.vector_load_idx %arg6[%add3A_762] : memref<18432xf32, #tpu.memory_space<vmem>>[vector<16xi32>], vector<16xf32>,
        %add3A_764 = arith.constant 322 : i32
        %add3A_765 = vector.broadcast %add3A_764 : i32 to vector<16xi32>
        %add3A_766 = arith.addi %min3A_70, %add3A_765 : vector<16xi32>
        %gather3A_767 = tpu.vector_load_idx %arg7[%add3A_766] : memref<448xf32, #tpu.memory_space<vmem>>[vector<16xi32>], vector<16xf32>,
        %add3A_768 = arith.addf %gather3A_763, %gather3A_767 : vector<16xf32>
        %mul3A_769 = arith.constant 16 : i32
        %mul3A_770 = arith.muli %scan3A_51, %mul3A_769 : i32
        %swap3A_771 = arith.constant 46 : i32
        %swap3A_772 = arith.index_cast %swap3A_771 : i32 to index
        %swap3A_773 = arith.index_cast %mul3A_770 : i32 to index
        %swap3A_774 = tpu.vector_load %arg9[%swap3A_772, %swap3A_773] {strides = array<i32>} : memref<64x512xf32, #tpu.memory_space<vmem>>, vector<16xf32>,
        tpu.vector_store %arg9[%swap3A_772, %swap3A_773], %add3A_768 {strides = array<i32>} : memref<64x512xf32, #tpu.memory_space<vmem>>, vector<16xf32>,
        %add3A_775 = arith.constant 13536 : i32
        %add3A_776 = vector.broadcast %add3A_775 : i32 to vector<16xi32>
        %add3A_777 = arith.addi %min3A_63, %add3A_776 : vector<16xi32>
        %gather3A_778 = tpu.vector_load_idx %arg6[%add3A_777] : memref<18432xf32, #tpu.memory_space<vmem>>[vector<16xi32>], vector<16xf32>,
        %add3A_779 = arith.constant 329 : i32
        %add3A_780 = vector.broadcast %add3A_779 : i32 to vector<16xi32>
        %add3A_781 = arith.addi %min3A_70, %add3A_780 : vector<16xi32>
        %gather3A_782 = tpu.vector_load_idx %arg7[%add3A_781] : memref<448xf32, #tpu.memory_space<vmem>>[vector<16xi32>], vector<16xf32>,
        %add3A_783 = arith.addf %gather3A_778, %gather3A_782 : vector<16xf32>
        %mul3A_784 = arith.constant 16 : i32
        %mul3A_785 = arith.muli %scan3A_51, %mul3A_784 : i32
        %swap3A_786 = arith.constant 47 : i32
        %swap3A_787 = arith.index_cast %swap3A_786 : i32 to index
        %swap3A_788 = arith.index_cast %mul3A_785 : i32 to index
        %swap3A_789 = tpu.vector_load %arg9[%swap3A_787, %swap3A_788] {strides = array<i32>} : memref<64x512xf32, #tpu.memory_space<vmem>>, vector<16xf32>,
        tpu.vector_store %arg9[%swap3A_787, %swap3A_788], %add3A_783 {strides = array<i32>} : memref<64x512xf32, #tpu.memory_space<vmem>>, vector<16xf32>,
        %add3A_790 = arith.constant 13824 : i32
        %add3A_791 = vector.broadcast %add3A_790 : i32 to vector<16xi32>
        %add3A_792 = arith.addi %min3A_63, %add3A_791 : vector<16xi32>
        %gather3A_793 = tpu.vector_load_idx %arg6[%add3A_792] : memref<18432xf32, #tpu.memory_space<vmem>>[vector<16xi32>], vector<16xf32>,
        %add3A_794 = arith.constant 336 : i32
        %add3A_795 = vector.broadcast %add3A_794 : i32 to vector<16xi32>
        %add3A_796 = arith.addi %min3A_70, %add3A_795 : vector<16xi32>
        %gather3A_797 = tpu.vector_load_idx %arg7[%add3A_796] : memref<448xf32, #tpu.memory_space<vmem>>[vector<16xi32>], vector<16xf32>,
        %add3A_798 = arith.addf %gather3A_793, %gather3A_797 : vector<16xf32>
        %mul3A_799 = arith.constant 16 : i32
        %mul3A_800 = arith.muli %scan3A_51, %mul3A_799 : i32
        %swap3A_801 = arith.constant 48 : i32
        %swap3A_802 = arith.index_cast %swap3A_801 : i32 to index
        %swap3A_803 = arith.index_cast %mul3A_800 : i32 to index
        %swap3A_804 = tpu.vector_load %arg9[%swap3A_802, %swap3A_803] {strides = array<i32>} : memref<64x512xf32, #tpu.memory_space<vmem>>, vector<16xf32>,
        tpu.vector_store %arg9[%swap3A_802, %swap3A_803], %add3A_798 {strides = array<i32>} : memref<64x512xf32, #tpu.memory_space<vmem>>, vector<16xf32>,
        %add3A_805 = arith.constant 14112 : i32
        %add3A_806 = vector.broadcast %add3A_805 : i32 to vector<16xi32>
        %add3A_807 = arith.addi %min3A_63, %add3A_806 : vector<16xi32>
        %gather3A_808 = tpu.vector_load_idx %arg6[%add3A_807] : memref<18432xf32, #tpu.memory_space<vmem>>[vector<16xi32>], vector<16xf32>,
        %add3A_809 = arith.constant 343 : i32
        %add3A_810 = vector.broadcast %add3A_809 : i32 to vector<16xi32>
        %add3A_811 = arith.addi %min3A_70, %add3A_810 : vector<16xi32>
        %gather3A_812 = tpu.vector_load_idx %arg7[%add3A_811] : memref<448xf32, #tpu.memory_space<vmem>>[vector<16xi32>], vector<16xf32>,
        %add3A_813 = arith.addf %gather3A_808, %gather3A_812 : vector<16xf32>
        %mul3A_814 = arith.constant 16 : i32
        %mul3A_815 = arith.muli %scan3A_51, %mul3A_814 : i32
        %swap3A_816 = arith.constant 49 : i32
        %swap3A_817 = arith.index_cast %swap3A_816 : i32 to index
        %swap3A_818 = arith.index_cast %mul3A_815 : i32 to index
        %swap3A_819 = tpu.vector_load %arg9[%swap3A_817, %swap3A_818] {strides = array<i32>} : memref<64x512xf32, #tpu.memory_space<vmem>>, vector<16xf32>,
        tpu.vector_store %arg9[%swap3A_817, %swap3A_818], %add3A_813 {strides = array<i32>} : memref<64x512xf32, #tpu.memory_space<vmem>>, vector<16xf32>,
        %add3A_820 = arith.constant 14400 : i32
        %add3A_821 = vector.broadcast %add3A_820 : i32 to vector<16xi32>
        %add3A_822 = arith.addi %min3A_63, %add3A_821 : vector<16xi32>
        %gather3A_823 = tpu.vector_load_idx %arg6[%add3A_822] : memref<18432xf32, #tpu.memory_space<vmem>>[vector<16xi32>], vector<16xf32>,
        %add3A_824 = arith.constant 350 : i32
        %add3A_825 = vector.broadcast %add3A_824 : i32 to vector<16xi32>
        %add3A_826 = arith.addi %min3A_70, %add3A_825 : vector<16xi32>
        %gather3A_827 = tpu.vector_load_idx %arg7[%add3A_826] : memref<448xf32, #tpu.memory_space<vmem>>[vector<16xi32>], vector<16xf32>,
        %add3A_828 = arith.addf %gather3A_823, %gather3A_827 : vector<16xf32>
        %mul3A_829 = arith.constant 16 : i32
        %mul3A_830 = arith.muli %scan3A_51, %mul3A_829 : i32
        %swap3A_831 = arith.constant 50 : i32
        %swap3A_832 = arith.index_cast %swap3A_831 : i32 to index
        %swap3A_833 = arith.index_cast %mul3A_830 : i32 to index
        %swap3A_834 = tpu.vector_load %arg9[%swap3A_832, %swap3A_833] {strides = array<i32>} : memref<64x512xf32, #tpu.memory_space<vmem>>, vector<16xf32>,
        tpu.vector_store %arg9[%swap3A_832, %swap3A_833], %add3A_828 {strides = array<i32>} : memref<64x512xf32, #tpu.memory_space<vmem>>, vector<16xf32>,
        %add3A_835 = arith.constant 14688 : i32
        %add3A_836 = vector.broadcast %add3A_835 : i32 to vector<16xi32>
        %add3A_837 = arith.addi %min3A_63, %add3A_836 : vector<16xi32>
        %gather3A_838 = tpu.vector_load_idx %arg6[%add3A_837] : memref<18432xf32, #tpu.memory_space<vmem>>[vector<16xi32>], vector<16xf32>,
        %add3A_839 = arith.constant 357 : i32
        %add3A_840 = vector.broadcast %add3A_839 : i32 to vector<16xi32>
        %add3A_841 = arith.addi %min3A_70, %add3A_840 : vector<16xi32>
        %gather3A_842 = tpu.vector_load_idx %arg7[%add3A_841] : memref<448xf32, #tpu.memory_space<vmem>>[vector<16xi32>], vector<16xf32>,
        %add3A_843 = arith.addf %gather3A_838, %gather3A_842 : vector<16xf32>
        %mul3A_844 = arith.constant 16 : i32
        %mul3A_845 = arith.muli %scan3A_51, %mul3A_844 : i32
        %swap3A_846 = arith.constant 51 : i32
        %swap3A_847 = arith.index_cast %swap3A_846 : i32 to index
        %swap3A_848 = arith.index_cast %mul3A_845 : i32 to index
        %swap3A_849 = tpu.vector_load %arg9[%swap3A_847, %swap3A_848] {strides = array<i32>} : memref<64x512xf32, #tpu.memory_space<vmem>>, vector<16xf32>,
        tpu.vector_store %arg9[%swap3A_847, %swap3A_848], %add3A_843 {strides = array<i32>} : memref<64x512xf32, #tpu.memory_space<vmem>>, vector<16xf32>,
        %add3A_850 = arith.constant 14976 : i32
        %add3A_851 = vector.broadcast %add3A_850 : i32 to vector<16xi32>
        %add3A_852 = arith.addi %min3A_63, %add3A_851 : vector<16xi32>
        %gather3A_853 = tpu.vector_load_idx %arg6[%add3A_852] : memref<18432xf32, #tpu.memory_space<vmem>>[vector<16xi32>], vector<16xf32>,
        %add3A_854 = arith.constant 364 : i32
        %add3A_855 = vector.broadcast %add3A_854 : i32 to vector<16xi32>
        %add3A_856 = arith.addi %min3A_70, %add3A_855 : vector<16xi32>
        %gather3A_857 = tpu.vector_load_idx %arg7[%add3A_856] : memref<448xf32, #tpu.memory_space<vmem>>[vector<16xi32>], vector<16xf32>,
        %add3A_858 = arith.addf %gather3A_853, %gather3A_857 : vector<16xf32>
        %mul3A_859 = arith.constant 16 : i32
        %mul3A_860 = arith.muli %scan3A_51, %mul3A_859 : i32
        %swap3A_861 = arith.constant 52 : i32
        %swap3A_862 = arith.index_cast %swap3A_861 : i32 to index
        %swap3A_863 = arith.index_cast %mul3A_860 : i32 to index
        %swap3A_864 = tpu.vector_load %arg9[%swap3A_862, %swap3A_863] {strides = array<i32>} : memref<64x512xf32, #tpu.memory_space<vmem>>, vector<16xf32>,
        tpu.vector_store %arg9[%swap3A_862, %swap3A_863], %add3A_858 {strides = array<i32>} : memref<64x512xf32, #tpu.memory_space<vmem>>, vector<16xf32>,
        %add3A_865 = arith.constant 15264 : i32
        %add3A_866 = vector.broadcast %add3A_865 : i32 to vector<16xi32>
        %add3A_867 = arith.addi %min3A_63, %add3A_866 : vector<16xi32>
        %gather3A_868 = tpu.vector_load_idx %arg6[%add3A_867] : memref<18432xf32, #tpu.memory_space<vmem>>[vector<16xi32>], vector<16xf32>,
        %add3A_869 = arith.constant 371 : i32
        %add3A_870 = vector.broadcast %add3A_869 : i32 to vector<16xi32>
        %add3A_871 = arith.addi %min3A_70, %add3A_870 : vector<16xi32>
        %gather3A_872 = tpu.vector_load_idx %arg7[%add3A_871] : memref<448xf32, #tpu.memory_space<vmem>>[vector<16xi32>], vector<16xf32>,
        %add3A_873 = arith.addf %gather3A_868, %gather3A_872 : vector<16xf32>
        %mul3A_874 = arith.constant 16 : i32
        %mul3A_875 = arith.muli %scan3A_51, %mul3A_874 : i32
        %swap3A_876 = arith.constant 53 : i32
        %swap3A_877 = arith.index_cast %swap3A_876 : i32 to index
        %swap3A_878 = arith.index_cast %mul3A_875 : i32 to index
        %swap3A_879 = tpu.vector_load %arg9[%swap3A_877, %swap3A_878] {strides = array<i32>} : memref<64x512xf32, #tpu.memory_space<vmem>>, vector<16xf32>,
        tpu.vector_store %arg9[%swap3A_877, %swap3A_878], %add3A_873 {strides = array<i32>} : memref<64x512xf32, #tpu.memory_space<vmem>>, vector<16xf32>,
        %add3A_880 = arith.constant 15552 : i32
        %add3A_881 = vector.broadcast %add3A_880 : i32 to vector<16xi32>
        %add3A_882 = arith.addi %min3A_63, %add3A_881 : vector<16xi32>
        %gather3A_883 = tpu.vector_load_idx %arg6[%add3A_882] : memref<18432xf32, #tpu.memory_space<vmem>>[vector<16xi32>], vector<16xf32>,
        %add3A_884 = arith.constant 378 : i32
        %add3A_885 = vector.broadcast %add3A_884 : i32 to vector<16xi32>
        %add3A_886 = arith.addi %min3A_70, %add3A_885 : vector<16xi32>
        %gather3A_887 = tpu.vector_load_idx %arg7[%add3A_886] : memref<448xf32, #tpu.memory_space<vmem>>[vector<16xi32>], vector<16xf32>,
        %add3A_888 = arith.addf %gather3A_883, %gather3A_887 : vector<16xf32>
        %mul3A_889 = arith.constant 16 : i32
        %mul3A_890 = arith.muli %scan3A_51, %mul3A_889 : i32
        %swap3A_891 = arith.constant 54 : i32
        %swap3A_892 = arith.index_cast %swap3A_891 : i32 to index
        %swap3A_893 = arith.index_cast %mul3A_890 : i32 to index
        %swap3A_894 = tpu.vector_load %arg9[%swap3A_892, %swap3A_893] {strides = array<i32>} : memref<64x512xf32, #tpu.memory_space<vmem>>, vector<16xf32>,
        tpu.vector_store %arg9[%swap3A_892, %swap3A_893], %add3A_888 {strides = array<i32>} : memref<64x512xf32, #tpu.memory_space<vmem>>, vector<16xf32>,
        %add3A_895 = arith.constant 15840 : i32
        %add3A_896 = vector.broadcast %add3A_895 : i32 to vector<16xi32>
        %add3A_897 = arith.addi %min3A_63, %add3A_896 : vector<16xi32>
        %gather3A_898 = tpu.vector_load_idx %arg6[%add3A_897] : memref<18432xf32, #tpu.memory_space<vmem>>[vector<16xi32>], vector<16xf32>,
        %add3A_899 = arith.constant 385 : i32
        %add3A_900 = vector.broadcast %add3A_899 : i32 to vector<16xi32>
        %add3A_901 = arith.addi %min3A_70, %add3A_900 : vector<16xi32>
        %gather3A_902 = tpu.vector_load_idx %arg7[%add3A_901] : memref<448xf32, #tpu.memory_space<vmem>>[vector<16xi32>], vector<16xf32>,
        %add3A_903 = arith.addf %gather3A_898, %gather3A_902 : vector<16xf32>
        %mul3A_904 = arith.constant 16 : i32
        %mul3A_905 = arith.muli %scan3A_51, %mul3A_904 : i32
        %swap3A_906 = arith.constant 55 : i32
        %swap3A_907 = arith.index_cast %swap3A_906 : i32 to index
        %swap3A_908 = arith.index_cast %mul3A_905 : i32 to index
        %swap3A_909 = tpu.vector_load %arg9[%swap3A_907, %swap3A_908] {strides = array<i32>} : memref<64x512xf32, #tpu.memory_space<vmem>>, vector<16xf32>,
        tpu.vector_store %arg9[%swap3A_907, %swap3A_908], %add3A_903 {strides = array<i32>} : memref<64x512xf32, #tpu.memory_space<vmem>>, vector<16xf32>,
        %add3A_910 = arith.constant 16128 : i32
        %add3A_911 = vector.broadcast %add3A_910 : i32 to vector<16xi32>
        %add3A_912 = arith.addi %min3A_63, %add3A_911 : vector<16xi32>
        %gather3A_913 = tpu.vector_load_idx %arg6[%add3A_912] : memref<18432xf32, #tpu.memory_space<vmem>>[vector<16xi32>], vector<16xf32>,
        %add3A_914 = arith.constant 392 : i32
        %add3A_915 = vector.broadcast %add3A_914 : i32 to vector<16xi32>
        %add3A_916 = arith.addi %min3A_70, %add3A_915 : vector<16xi32>
        %gather3A_917 = tpu.vector_load_idx %arg7[%add3A_916] : memref<448xf32, #tpu.memory_space<vmem>>[vector<16xi32>], vector<16xf32>,
        %add3A_918 = arith.addf %gather3A_913, %gather3A_917 : vector<16xf32>
        %mul3A_919 = arith.constant 16 : i32
        %mul3A_920 = arith.muli %scan3A_51, %mul3A_919 : i32
        %swap3A_921 = arith.constant 56 : i32
        %swap3A_922 = arith.index_cast %swap3A_921 : i32 to index
        %swap3A_923 = arith.index_cast %mul3A_920 : i32 to index
        %swap3A_924 = tpu.vector_load %arg9[%swap3A_922, %swap3A_923] {strides = array<i32>} : memref<64x512xf32, #tpu.memory_space<vmem>>, vector<16xf32>,
        tpu.vector_store %arg9[%swap3A_922, %swap3A_923], %add3A_918 {strides = array<i32>} : memref<64x512xf32, #tpu.memory_space<vmem>>, vector<16xf32>,
        %add3A_925 = arith.constant 16416 : i32
        %add3A_926 = vector.broadcast %add3A_925 : i32 to vector<16xi32>
        %add3A_927 = arith.addi %min3A_63, %add3A_926 : vector<16xi32>
        %gather3A_928 = tpu.vector_load_idx %arg6[%add3A_927] : memref<18432xf32, #tpu.memory_space<vmem>>[vector<16xi32>], vector<16xf32>,
        %add3A_929 = arith.constant 399 : i32
        %add3A_930 = vector.broadcast %add3A_929 : i32 to vector<16xi32>
        %add3A_931 = arith.addi %min3A_70, %add3A_930 : vector<16xi32>
        %gather3A_932 = tpu.vector_load_idx %arg7[%add3A_931] : memref<448xf32, #tpu.memory_space<vmem>>[vector<16xi32>], vector<16xf32>,
        %add3A_933 = arith.addf %gather3A_928, %gather3A_932 : vector<16xf32>
        %mul3A_934 = arith.constant 16 : i32
        %mul3A_935 = arith.muli %scan3A_51, %mul3A_934 : i32
        %swap3A_936 = arith.constant 57 : i32
        %swap3A_937 = arith.index_cast %swap3A_936 : i32 to index
        %swap3A_938 = arith.index_cast %mul3A_935 : i32 to index
        %swap3A_939 = tpu.vector_load %arg9[%swap3A_937, %swap3A_938] {strides = array<i32>} : memref<64x512xf32, #tpu.memory_space<vmem>>, vector<16xf32>,
        tpu.vector_store %arg9[%swap3A_937, %swap3A_938], %add3A_933 {strides = array<i32>} : memref<64x512xf32, #tpu.memory_space<vmem>>, vector<16xf32>,
        %add3A_940 = arith.constant 16704 : i32
        %add3A_941 = vector.broadcast %add3A_940 : i32 to vector<16xi32>
        %add3A_942 = arith.addi %min3A_63, %add3A_941 : vector<16xi32>
        %gather3A_943 = tpu.vector_load_idx %arg6[%add3A_942] : memref<18432xf32, #tpu.memory_space<vmem>>[vector<16xi32>], vector<16xf32>,
        %add3A_944 = arith.constant 406 : i32
        %add3A_945 = vector.broadcast %add3A_944 : i32 to vector<16xi32>
        %add3A_946 = arith.addi %min3A_70, %add3A_945 : vector<16xi32>
        %gather3A_947 = tpu.vector_load_idx %arg7[%add3A_946] : memref<448xf32, #tpu.memory_space<vmem>>[vector<16xi32>], vector<16xf32>,
        %add3A_948 = arith.addf %gather3A_943, %gather3A_947 : vector<16xf32>
        %mul3A_949 = arith.constant 16 : i32
        %mul3A_950 = arith.muli %scan3A_51, %mul3A_949 : i32
        %swap3A_951 = arith.constant 58 : i32
        %swap3A_952 = arith.index_cast %swap3A_951 : i32 to index
        %swap3A_953 = arith.index_cast %mul3A_950 : i32 to index
        %swap3A_954 = tpu.vector_load %arg9[%swap3A_952, %swap3A_953] {strides = array<i32>} : memref<64x512xf32, #tpu.memory_space<vmem>>, vector<16xf32>,
        tpu.vector_store %arg9[%swap3A_952, %swap3A_953], %add3A_948 {strides = array<i32>} : memref<64x512xf32, #tpu.memory_space<vmem>>, vector<16xf32>,
        %add3A_955 = arith.constant 16992 : i32
        %add3A_956 = vector.broadcast %add3A_955 : i32 to vector<16xi32>
        %add3A_957 = arith.addi %min3A_63, %add3A_956 : vector<16xi32>
        %gather3A_958 = tpu.vector_load_idx %arg6[%add3A_957] : memref<18432xf32, #tpu.memory_space<vmem>>[vector<16xi32>], vector<16xf32>,
        %add3A_959 = arith.constant 413 : i32
        %add3A_960 = vector.broadcast %add3A_959 : i32 to vector<16xi32>
        %add3A_961 = arith.addi %min3A_70, %add3A_960 : vector<16xi32>
        %gather3A_962 = tpu.vector_load_idx %arg7[%add3A_961] : memref<448xf32, #tpu.memory_space<vmem>>[vector<16xi32>], vector<16xf32>,
        %add3A_963 = arith.addf %gather3A_958, %gather3A_962 : vector<16xf32>
        %mul3A_964 = arith.constant 16 : i32
        %mul3A_965 = arith.muli %scan3A_51, %mul3A_964 : i32
        %swap3A_966 = arith.constant 59 : i32
        %swap3A_967 = arith.index_cast %swap3A_966 : i32 to index
        %swap3A_968 = arith.index_cast %mul3A_965 : i32 to index
        %swap3A_969 = tpu.vector_load %arg9[%swap3A_967, %swap3A_968] {strides = array<i32>} : memref<64x512xf32, #tpu.memory_space<vmem>>, vector<16xf32>,
        tpu.vector_store %arg9[%swap3A_967, %swap3A_968], %add3A_963 {strides = array<i32>} : memref<64x512xf32, #tpu.memory_space<vmem>>, vector<16xf32>,
        %add3A_970 = arith.constant 17280 : i32
        %add3A_971 = vector.broadcast %add3A_970 : i32 to vector<16xi32>
        %add3A_972 = arith.addi %min3A_63, %add3A_971 : vector<16xi32>
        %gather3A_973 = tpu.vector_load_idx %arg6[%add3A_972] : memref<18432xf32, #tpu.memory_space<vmem>>[vector<16xi32>], vector<16xf32>,
        %add3A_974 = arith.constant 420 : i32
        %add3A_975 = vector.broadcast %add3A_974 : i32 to vector<16xi32>
        %add3A_976 = arith.addi %min3A_70, %add3A_975 : vector<16xi32>
        %gather3A_977 = tpu.vector_load_idx %arg7[%add3A_976] : memref<448xf32, #tpu.memory_space<vmem>>[vector<16xi32>], vector<16xf32>,
        %add3A_978 = arith.addf %gather3A_973, %gather3A_977 : vector<16xf32>
        %mul3A_979 = arith.constant 16 : i32
        %mul3A_980 = arith.muli %scan3A_51, %mul3A_979 : i32
        %swap3A_981 = arith.constant 60 : i32
        %swap3A_982 = arith.index_cast %swap3A_981 : i32 to index
        %swap3A_983 = arith.index_cast %mul3A_980 : i32 to index
        %swap3A_984 = tpu.vector_load %arg9[%swap3A_982, %swap3A_983] {strides = array<i32>} : memref<64x512xf32, #tpu.memory_space<vmem>>, vector<16xf32>,
        tpu.vector_store %arg9[%swap3A_982, %swap3A_983], %add3A_978 {strides = array<i32>} : memref<64x512xf32, #tpu.memory_space<vmem>>, vector<16xf32>,
        %add3A_985 = arith.constant 17568 : i32
        %add3A_986 = vector.broadcast %add3A_985 : i32 to vector<16xi32>
        %add3A_987 = arith.addi %min3A_63, %add3A_986 : vector<16xi32>
        %gather3A_988 = tpu.vector_load_idx %arg6[%add3A_987] : memref<18432xf32, #tpu.memory_space<vmem>>[vector<16xi32>], vector<16xf32>,
        %add3A_989 = arith.constant 427 : i32
        %add3A_990 = vector.broadcast %add3A_989 : i32 to vector<16xi32>
        %add3A_991 = arith.addi %min3A_70, %add3A_990 : vector<16xi32>
        %gather3A_992 = tpu.vector_load_idx %arg7[%add3A_991] : memref<448xf32, #tpu.memory_space<vmem>>[vector<16xi32>], vector<16xf32>,
        %add3A_993 = arith.addf %gather3A_988, %gather3A_992 : vector<16xf32>
        %mul3A_994 = arith.constant 16 : i32
        %mul3A_995 = arith.muli %scan3A_51, %mul3A_994 : i32
        %swap3A_996 = arith.constant 61 : i32
        %swap3A_997 = arith.index_cast %swap3A_996 : i32 to index
        %swap3A_998 = arith.index_cast %mul3A_995 : i32 to index
        %swap3A_999 = tpu.vector_load %arg9[%swap3A_997, %swap3A_998] {strides = array<i32>} : memref<64x512xf32, #tpu.memory_space<vmem>>, vector<16xf32>,
        tpu.vector_store %arg9[%swap3A_997, %swap3A_998], %add3A_993 {strides = array<i32>} : memref<64x512xf32, #tpu.memory_space<vmem>>, vector<16xf32>,
        %add3A_1000 = arith.constant 17856 : i32
        %add3A_1001 = vector.broadcast %add3A_1000 : i32 to vector<16xi32>
        %add3A_1002 = arith.addi %min3A_63, %add3A_1001 : vector<16xi32>
        %gather3A_1003 = tpu.vector_load_idx %arg6[%add3A_1002] : memref<18432xf32, #tpu.memory_space<vmem>>[vector<16xi32>], vector<16xf32>,
        %add3A_1004 = arith.constant 434 : i32
        %add3A_1005 = vector.broadcast %add3A_1004 : i32 to vector<16xi32>
        %add3A_1006 = arith.addi %min3A_70, %add3A_1005 : vector<16xi32>
        %gather3A_1007 = tpu.vector_load_idx %arg7[%add3A_1006] : memref<448xf32, #tpu.memory_space<vmem>>[vector<16xi32>], vector<16xf32>,
        %add3A_1008 = arith.addf %gather3A_1003, %gather3A_1007 : vector<16xf32>
        %mul3A_1009 = arith.constant 16 : i32
        %mul3A_1010 = arith.muli %scan3A_51, %mul3A_1009 : i32
        %swap3A_1011 = arith.constant 62 : i32
        %swap3A_1012 = arith.index_cast %swap3A_1011 : i32 to index
        %swap3A_1013 = arith.index_cast %mul3A_1010 : i32 to index
        %swap3A_1014 = tpu.vector_load %arg9[%swap3A_1012, %swap3A_1013] {strides = array<i32>} : memref<64x512xf32, #tpu.memory_space<vmem>>, vector<16xf32>,
        tpu.vector_store %arg9[%swap3A_1012, %swap3A_1013], %add3A_1008 {strides = array<i32>} : memref<64x512xf32, #tpu.memory_space<vmem>>, vector<16xf32>,
        %add3A_1015 = arith.constant 18144 : i32
        %add3A_1016 = vector.broadcast %add3A_1015 : i32 to vector<16xi32>
        %add3A_1017 = arith.addi %min3A_63, %add3A_1016 : vector<16xi32>
        %gather3A_1018 = tpu.vector_load_idx %arg6[%add3A_1017] : memref<18432xf32, #tpu.memory_space<vmem>>[vector<16xi32>], vector<16xf32>,
        %add3A_1019 = arith.constant 441 : i32
        %add3A_1020 = vector.broadcast %add3A_1019 : i32 to vector<16xi32>
        %add3A_1021 = arith.addi %min3A_70, %add3A_1020 : vector<16xi32>
        %gather3A_1022 = tpu.vector_load_idx %arg7[%add3A_1021] : memref<448xf32, #tpu.memory_space<vmem>>[vector<16xi32>], vector<16xf32>,
        %add3A_1023 = arith.addf %gather3A_1018, %gather3A_1022 : vector<16xf32>
        %mul3A_1024 = arith.constant 16 : i32
        %mul3A_1025 = arith.muli %scan3A_51, %mul3A_1024 : i32
        %swap3A_1026 = arith.constant 63 : i32
        %swap3A_1027 = arith.index_cast %swap3A_1026 : i32 to index
        %swap3A_1028 = arith.index_cast %mul3A_1025 : i32 to index
        %swap3A_1029 = tpu.vector_load %arg9[%swap3A_1027, %swap3A_1028] {strides = array<i32>} : memref<64x512xf32, #tpu.memory_space<vmem>>, vector<16xf32>,
        tpu.vector_store %arg9[%swap3A_1027, %swap3A_1028], %add3A_1023 {strides = array<i32>} : memref<64x512xf32, #tpu.memory_space<vmem>>, vector<16xf32>,
      }
      %scan3A_50 = arith.constant 32 : i32
      "tpu.region"() ({
        %run_scoped3A_51 = tpu.sem_alloc : memref<!tpu.dma_semaphore, #tpu.memory_space<semaphore_mem>>
        %dma_start3A = arith.constant 0 : i32
        %dma_start3A_52 = tpu.memref_slice %arg5[%select_n3A, %dma_start3A, %mul3A_44] : memref<64x64x4096xf32, #tpu.memory_space<hbm>> -> memref<1x64x512xf32, #tpu.memory_space<hbm>>
        %dma_start3A_53 = tpu.memref_squeeze %dma_start3A_52 : memref<1x64x512xf32, #tpu.memory_space<hbm>> -> memref<64x512xf32, #tpu.memory_space<hbm>>
        %dma_start3A_54 = arith.constant 0 : i32
        %dma_start3A_55 = tpu.memref_slice %arg5[%select_n3A, %dma_start3A_54, %mul3A_44] : memref<64x64x4096xf32, #tpu.memory_space<hbm>> -> memref<1x64x512xf32, #tpu.memory_space<hbm>>
        %dma_start3A_56 = tpu.memref_squeeze %dma_start3A_55 : memref<1x64x512xf32, #tpu.memory_space<hbm>> -> memref<64x512xf32, #tpu.memory_space<hbm>>
        tpu.enqueue_dma source(%arg9 : memref<64x512xf32, #tpu.memory_space<vmem>>) target(%dma_start3A_56 : memref<64x512xf32, #tpu.memory_space<hbm>>) target_semaphore(%run_scoped3A_51 : memref<!tpu.dma_semaphore, #tpu.memory_space<semaphore_mem>>)
        %dma_wait3A = arith.constant 0 : i32
        %dma_wait3A_57 = tpu.memref_slice %arg5[%select_n3A, %dma_wait3A, %mul3A_44] : memref<64x64x4096xf32, #tpu.memory_space<hbm>> -> memref<1x64x512xf32, #tpu.memory_space<hbm>>
        %dma_wait3A_58 = tpu.memref_squeeze %dma_wait3A_57 : memref<1x64x512xf32, #tpu.memory_space<hbm>> -> memref<64x512xf32, #tpu.memory_space<hbm>>
        %dma_wait3A_59 = arith.constant 0 : i32
        %dma_wait3A_60 = tpu.memref_slice %arg5[%select_n3A, %dma_wait3A_59, %mul3A_44] : memref<64x64x4096xf32, #tpu.memory_space<hbm>> -> memref<1x64x512xf32, #tpu.memory_space<hbm>>
        %dma_wait3A_61 = tpu.memref_squeeze %dma_wait3A_60 : memref<1x64x512xf32, #tpu.memory_space<hbm>> -> memref<64x512xf32, #tpu.memory_space<hbm>>
        tpu.wait_dma2 semaphore(%run_scoped3A_51 : memref<!tpu.dma_semaphore, #tpu.memory_space<semaphore_mem>>) src(%arg9 : memref<64x512xf32, #tpu.memory_space<vmem>>) dst(%dma_wait3A_61 : memref<64x512xf32, #tpu.memory_space<hbm>>)
        tpu.yield
      }) : () -> ()
    }
    %scan3A_8 = arith.constant 16 : i32
    return
  }
}

</mosaic_0001>

<sc_bundles>
// kernel: kernel.3.cloned.1.call-start
scs
__scs_entry_jumppad:
0x0: {  	(pc) =	sbr.rel $0x88, $3  }
0x1: {  	(tag) =	ssettag $0x0;
	lr =	simm.s32 $0x1  }
0x2: {  	[smem:$0x3F9E] =	sst lr;
	_ =	strace $0xD0000000  }
0x3: {  	_ = 	snop  }
0x4: {  	_ = 	snop  }
0x5: {  	_ = 	snop  }
0x6: {  	_ = 	snop  }
0x7: {  	_ = 	snop  }
__scs_overlays_trampoline_lowered:
0x8: {  	[smem:$0x3FAD] =	sst s0  }
0x9: {  	[smem:$0x3FAE] =	sst s1  }
0xa: {  	[smem:$0x3FAF] =	sst s2  }
0xb: {  	[smem:$0x3FB0] =	sst s3  }
0xc: {  	[smem:$0x3FB1] =	sst s4  }
0xd: {  	[smem:$0x3FB2] =	sst s5  }
0xe: {  	[smem:$0x3FB3] =	sst s6  }
0xf: {  	[smem:$0x3FB4] =	sst s7  }
0x10: {  	[smem:$0x3FB5] =	sst s8  }
0x11: {  	[smem:$0x3FB6] =	sst s9;
	s0 =	simm.s32 @!p0 $0x0  }
0x12: {  	s1 =	sld [smem:$0x3F9C];
	s0 =	simm.s32 @p0 $0x1  }
0x13: {  	[smem:$0x3FB7] =	sst s0;
	s0 =	simm.s32 @!p1 $0x0  }
0x14: {  	s2 =	sld [smem:$0x3F9B];
	s0 =	simm.s32 @p1 $0x1  }
0x15: {  	[smem:$0x3FB8] =	sst s0;
	s0 =	simm.s32 @!p2 $0x0  }
0x16: {  	s3 =	sld [smem:$0x3FDB];
	s0 =	simm.s32 @p2 $0x1  }
0x17: {  	s4 =	simm.s32 $0x1BF5;
	[smem:$0x3FBA] =	sst s0  }
0x18: {  	s0 =	sld [smem:$0x3F9D];
	_ =	swait.ge [sflag:s4], $0x0  }
0x19: {  	s7 =	sld [smem:$0x3F9E]  }
0x1a: {  	s8 =	sadd.s32 $0xFFFFE003, lr  }
0x1b: {  	s9 =	sadd.s32 $0xFFFFFEF7, lr;
	s5 =	simm.s32 $0xFFFFFFFF;
	p2 =	slt.u32 s8, $0xFFFFF086  }
0x1c: {  	p1 =	slt.u32 s9, $0xF7A;
	s5 =	simm.s32 @!p2 $0x0  }
0x1d: {  	s5 =	simm.s32 @p1 $0x1;
	p0 =	seq.s32 s7, s2  }
0x1e: {  	s7 =	smul.u32 @!p0 $0xF7A, s2;
	p2 =	seq.s32 @!p0 s5, $0x0  }
0x1f: {  	s9 =	smul.u32 $0xF7A, s1;
	s8 =	simm.s32 @!p0 $0x1BF5;
	p2 =	por !p2, p0  }
0x20: {  	[sflag:s8] =	ssyncset.s32 @!p0 $0xFFFFF086;
	s6 =	sadd.s32 @!p0 s3, s7;
	s7 =	simm.s32 @!p0 $0x108  }
0x21: {  	s3 =	sadd.s32 s3, s9;
	s6 =	sadd.s32 @!p0 $0x88, s6;
	s7 =	simm.s32 @p2 $0x1082  }
0x22: {  	[simem:s7], [sflag:s8] =	dma.local @!p0 [hbm:s6], $0xF7A  }
0x23: {  	s9 =	sor.u32 $0xD0000000, s2;
	s6 =	simm.s32 $0x108;
	_ =	swait.ge @!p0 [sflag:s8], $0x0  }
0x24: {  	s3 =	sadd.s32 $0x88, s3;
	s6 =	simm.s32 @!p1 $0x1082;
	[sflag:s4] =	ssyncset.s32 $0xFFFFF086  }
0x25: {  	[simem:s6], [sflag:s4] =	dma.local [hbm:s3], $0xF7A  }
0x26: {  	[smem:$0x3F9E] =	sst s1;
	(tag) =	ssettag s2;
	_ =	strace s9  }
0x27: {  	s1 =	sld [smem:$0x3FAE]  }
0x28: {  	s2 =	sld [smem:$0x3FAF]  }
0x29: {  	s4 =	sld [smem:$0x3FB1]  }
0x2a: {  	p0 =	seq.s32 s5, $0x0;
	s5 =	sld [smem:$0x3FB2]  }
0x2b: {  	s6 =	sld [smem:$0x3FB3]  }
0x2c: {  	s7 =	sld [smem:$0x3FB4]  }
0x2d: {  	s3 =	simm.s32 $0x108;
	s8 =	sld [smem:$0x3FB5]  }
0x2e: {  	s3 =	simm.s32 @!p0 $0x1082;
	s9 =	sld [smem:$0x3FB6]  }
0x2f: {  	lr =	sadd.s32 s0, s3;
	s0 =	sld [smem:$0x3FAD]  }
0x30: {  	s3 =	sld [smem:$0x3FB0]  }
0x31: {  	[smem:$0x3FB9] =	sst s10  }
0x32: {  	s10 =	sld [smem:$0x3FB7];
	_ =	sdelay $0x3  }
0x33: {  	p0 =	seq.s32 s10, $0x1;
	s10 =	sld [smem:$0x3FB9];
	_ =	sdelay $0x3  }
0x34: {  	[smem:$0x3FB9] =	sst s10  }
0x35: {  	s10 =	sld [smem:$0x3FB8];
	_ =	sdelay $0x3  }
0x36: {  	p1 =	seq.s32 s10, $0x1;
	s10 =	sld [smem:$0x3FB9];
	_ =	sdelay $0x3  }
0x37: {  	[smem:$0x3FB9] =	sst s10  }
0x38: {  	s10 =	sld [smem:$0x3FBA]  }
0x39: {  	_ = 	snop;
	(pc) =	sbr.ind lr, $3  }
0x3a: {  	_ = 	snop  }
0x3b: {  	_ = 	snop  }
0x3c: {  	p2 =	seq.s32 s10, $0x1;
	s10 =	sld [smem:$0x3FB9]  }
0x3d: {  	_ =	shalt  }
0x3e: {  	_ =	shalt  }
0x3f: {  	_ =	shalt  }
0x40: {  	_ =	shalt  }
0x41: {  	_ =	shalt  }
0x42: {  	_ =	shalt  }
0x43: {  	_ =	shalt  }
0x44: {  	_ =	shalt  }
0x45: {  	_ =	shalt  }
0x46: {  	_ =	shalt  }
0x47: {  	_ =	shalt  }
0x48: {  	_ =	shalt  }
0x49: {  	_ =	shalt  }
0x4a: {  	_ =	shalt  }
0x4b: {  	_ =	shalt  }
0x4c: {  	_ =	shalt  }
0x4d: {  	_ =	shalt  }
0x4e: {  	_ =	shalt  }
0x4f: {  	_ =	shalt  }
0x50: {  	_ =	shalt  }
0x51: {  	_ =	shalt  }
0x52: {  	_ =	shalt  }
0x53: {  	_ =	shalt  }
0x54: {  	_ =	shalt  }
0x55: {  	_ =	shalt  }
0x56: {  	_ =	shalt  }
0x57: {  	_ =	shalt  }
0x58: {  	_ =	shalt  }
0x59: {  	_ =	shalt  }
0x5a: {  	_ =	shalt  }
0x5b: {  	_ =	shalt  }
0x5c: {  	_ =	shalt  }
0x5d: {  	_ =	shalt  }
0x5e: {  	_ =	shalt  }
0x5f: {  	_ =	shalt  }
0x60: {  	_ =	shalt  }
0x61: {  	_ =	shalt  }
0x62: {  	_ =	shalt  }
0x63: {  	_ =	shalt  }
0x64: {  	_ =	shalt  }
0x65: {  	_ =	shalt  }
0x66: {  	_ =	shalt  }
0x67: {  	_ =	shalt  }
0x68: {  	_ =	shalt  }
0x69: {  	_ =	shalt  }
0x6a: {  	_ =	shalt  }
0x6b: {  	_ =	shalt  }
0x6c: {  	_ =	shalt  }
0x6d: {  	_ =	shalt  }
0x6e: {  	_ =	shalt  }
0x6f: {  	_ =	shalt  }
0x70: {  	_ =	shalt  }
0x71: {  	_ =	shalt  }
0x72: {  	_ =	shalt  }
0x73: {  	_ =	shalt  }
0x74: {  	_ =	shalt  }
0x75: {  	_ =	shalt  }
0x76: {  	_ =	shalt  }
0x77: {  	_ =	shalt  }
0x78: {  	_ =	shalt  }
0x79: {  	_ =	shalt  }
0x7a: {  	_ =	shalt  }
0x7b: {  	_ =	shalt  }
0x7c: {  	_ =	shalt  }
0x7d: {  	_ =	shalt  }
0x7e: {  	_ =	shalt  }
0x7f: {  	_ =	shalt  }
0x80: {  	_ =	shalt  }
0x81: {  	_ =	shalt  }
0x82: {  	_ =	shalt  }
0x83: {  	_ =	shalt  }
0x84: {  	_ =	shalt  }
0x85: {  	_ =	shalt  }
0x86: {  	_ =	shalt  }
0x87: {  	_ =	shalt  }
.Lfunc_end0:
.L_simem_size_0:
called_computation.1_lowered:
.L_overlay_start_0:
0x88: {  	s2 =	sld [smem:$0x3FD9]  }
0x89: {  	s3 =	sld [smem:$0x3FFE];
	_ =	sdelay $0x1  }
0x8a: {  	s1 =	srdreg.scid  }
0x8b: {  	s0 =	sand.u32 $0x1, s1  }
0x8c: {  	s17 =	sshll.u32 s0, $0xA;
	s2 =	sadd.s32 s3, s2  }
0x8d: {  	s2 =	sadd.s32 s2, s17  }
0x8e: {  	[smem:$0x3FC5] =	sst s2  }
0x8f: {  	_ = 	snop  }
0x90: {  	s2 =	sld [smem:$0x3FD0];
	(tm) =	ssettm $0x1  }
0x91: {  	s18 =	sld [smem:$0x3FFB];
	_ =	sdelay $0x3  }
0x92: {  	_ =	strace s18  }
0x93: {  	s3 =	sld [smem:$0x3FFC];
	_ =	sdelay $0x3  }
0x94: {  	_ =	strace s3  }
0x95: {  	s3 =	sld [smem:$0x3FFD];
	_ =	sdelay $0x3  }
0x96: {  	_ =	strace s3  }
0x97: {  	_ =	strace $0x8FFFFFFF  }
0x98: {  	s19 =	sld [smem:$0x3FDB];
	_ =	sdelay $0x1  }
0x99: {  	s4 =	simm.s32 $_scs_section_size  }
0x9a: {  	s5 =	simm.s32 $_size__tile_overlayer_lowered;
	s6 =	simm.s32 $_tile_overlayer_lowered  }
0x9b: {  	s22 =	simm.s32 $0x1BFF;
	s21 =	sshll.u32 s6, $0x1;
	s3 =	sadd.s32 s4, s19  }
0x9c: {  	s7 =	simm.s32 $0x0;
	s20 =	sshll.u32 s5, $0x1;
	s5 =	sadd.s32 s21, s3  }
0x9d: {  	[timem:s7], [sflag:s22] =	dma.local [hbm:s5], s20  }
0x9e: {  	_ =	swait.ge [sflag:s22], s20  }
0x9f: {  	s4 =	ssub.s32 $0x0, s20;
	[sflag:s22] =	ssyncset.done $0x0  }
0xa0: {  	[sflag:s22] =	ssyncadd.s32 s4;
	_ =	sdelay $0x1  }
0xa1: {  	s23 =	simm.s32 $0x1B8B  }
0xa2: {  	_ =	swait.ge [sflag:s23], $0x1  }
0xa3: {  	[sflag:s23] =	ssyncset.done $0x0  }
0xa4: {  	s25 =	simm.s32 $0x1B8E;
	s24 =	sld [smem:$0x3FFE];
	[sflag:s23] =	ssyncadd.s32 $0xFFFFFFFF  }
0xa5: {  	s26 =	simm.s32 $execute0_lowered;
	[smem:$0x3FD2] =	sst s25  }
0xa6: {  	s5 =	sshll.u32 s26, $0x1;
	_ =	strace $0x80000046;
	[dreg:$0x1] =	wrdreg $0xFFFFFFFF  }
0xa7: {  	s28 =	simm.s32 $_size_execute0_lowered;
	s3 =	sadd.s32 s3, s5;
	[dreg:$0x0] =	wrdreg $0x0  }
0xa8: {  	s5 =	sshll.u32 s28, $0x1;
	[dreg:$0x2] =	wrdreg s3  }
0xa9: {  	[dreg:$0x3] =	wrdreg s5  }
0xaa: {  	[dreg:$0x4] =	wrdreg $0xC0  }
0xab: {  	_ =	task [dreg:s7], $0x5FFFF  }
0xac: {  	[dreg:$0x1] =	wrdreg $0xFFFFFFFF  }
0xad: {  	[dreg:$0x0] =	wrdreg $0x60  }
0xae: {  	[dreg:$0x2] =	wrdreg s24  }
0xaf: {  	[dreg:$0x3] =	wrdreg s2  }
0xb0: {  	[dreg:$0x4] =	wrdreg $0x9  }
0xb1: {  	_ =	task.clear_ibuf [dreg:s7], $0x5FFFF;
	_ =	strace $0x90000046  }
0xb2: {  	s29 =	simm.s32 $0x9;
	_ =	strace $0x80000048  }
0xb3: {  	_ =	swait.ge [sflag:s29], $0x1  }
0xb4: {  	[sflag:s29] =	ssyncadd.s32 $0xFFFFFFFF  }
0xb5: {  	_ =	strace $0x90000048  }
0xb6: {  	_ =	sfence  }
0xb7: {  	s30 =	sld [smem:$0x0];
	_ =	sdelay $0x2  }
0xb8: {  	s31 =	sshll.u32 s1, $0xD;
	s1 =	sshrl.u32 s1, $0x2  }
0xb9: {  	s3 =	sand.u32 $0x4000, s31;
	s1 =	sadd.s32 s1, s30  }
0xba: {  	s0 =	sor.u32 s3, s0;
	s1 =	sshll.u32 s1, $0x11  }
0xbb: {  	s0 =	sor.u32 s1, s0  }
0xbc: {  	s0 =	sadd.s32 $0x8F2B, s0  }
0xbd: {  	[sflag:s0] =	ssyncadd.remote.s32 $0x1  }
0xbe: {  	_ =	sfence.sel $0xFFFF  }
0xbf: {  	[dreg:$0x0] =	wrdreg $0xFFFFFFFF;
	(pc) =	sbr.abs _section_cstart, $3  }
0xc0: {  	[dreg:$0x1] =	wrdreg $0xFFFFFFFF  }
0xc1: {  	_ =	task.clear_ibuf [dreg:s7], $0x2FFFF;
	_ =	strace $0x9FFFFFFF  }
0xc2: {  	(tm) =	ssettm $0x7FFFFFFF  }
0xc3: {  	_ =	shalt  }
tec
execute0_lowered:
.L_overlay_start_1:
0x0: {  	(tag) =	ssettag $0x1  }
0x1: {  	s3 =	rddreg [dreg:$0x0]  }
0x2: {  	s1 =	rddreg [dreg:$0x1]  }
0x3: {  	s0 =	rddreg [dreg:$0x2];
	s2 =	simm.s32 $0x0;
	s4 =	srdreg.scid  }
0x4: {  	s10 =	simm.s32 $0x4800;
	s11 =	simm.s32 $0x4A00;
	s12 =	simm.s32 $0x1000  }
0x5: {  	s13 =	simm.s32 $0x8000;
	s14 =	simm.s32 $0x14A00;
	s15 =	simm.s32 $0x0  }
0x6: {  	[smem:$0x7FF] =	sst s2;
	s7 =	sand.u32 $0x1, s4;
	s4 =	sadd.s32 $0xA00, s3  }
0x7: {  	s5 =	sadd.s32 $0x800, s3;
	s6 =	sadd.s32 $0x3000A00, s3;
	s8 =	ssub.s32 $0x2, s7  }
0x8: {  	s3 =	stileid.u32;
	_ =	strace $0x80000047;
	s9 =	sshrl.u32 s8, $0x1  }
0x9: {  	v0 =	vlaneseq.u32;
	s31 =	sshll.u32 s3, $0x5;
	s7 =	sshll.u32 s7, $0x4;
	s8 =	ssub.s32 s8, s9  }
0xa: {  	v0 =	vmul.u32 $0x80, v0;
	s7 =	sor.u32 s7, s31;
	s9 =	simm.s32 $0x1;
	s8 =	smax.u32 s8, $0x1  }
.LBB2_1:
0xb: {  	[tilespmem:s2], [sflag:$0x1] =	stream.linear.gather [hbm4b:s1+s2], $0x4800, $0x38;
	[tilespmem:$0x1CA00] =	vst v63  }
0xc: {  	_ =	swait.ge [sflag:s9], $0x4800  }
0xd: {  	[sflag:s9] =	ssyncset.done $0x0  }
0xe: {  	[sflag:s9] =	ssyncadd.s32 $0xFFFFB800  }
0xf: {  	[tilespmem:s10], [sflag:$0x1] =	stream.linear.gather [hbm4b:s5+s2], $0x200, $0x38;
	[tilespmem:$0x1CA00] =	vst v63  }
0x10: {  	_ =	swait.ge [sflag:s9], $0x200  }
0x11: {  	[sflag:s9] =	ssyncset.done $0x0  }
0x12: {  	s16 =	simm.s32 $0x0;
	[sflag:s9] =	ssyncadd.s32 $0xFFFFFE00  }
.LBB2_2:
0x13: {  	s17 =	sadd.s32 s7, s16;
	s18 =	sand.u32 $0x7, s16  }
0x14: {  	p0 =	seq.s32 s17, $0x0;
	p1 =	sne.s32 s18, $0x0  }
0x15: {  	p0 =	por !p0, !p1  }
0x16: {  	s18 =	simm.s32 $0x1;
	p0 =	por !p0, !p0  }
0x17: {  	s17 =	sshrl.u32 s17, $0x3;
	s18 =	simm.s32 @!p0 $0x0  }
0x18: {  	s30 =	sshll.u32 s16, $0x9;
	s17 =	ssub.s32 s17, s18  }
0x19: {  	s18 =	sand.u32 $0xE00, s30;
	s19 =	smul.u32 $0x600000, s17  }
0x1a: {  	s20 =	sshll.u32 s18, $0x7  }
0x1b: {  	s19 =	sor.u32 s20, s19  }
0x1c: {  	s19 =	sadd.s32 $0x580000, s19  }
0x1d: {  	s19 =	sshrl.u32 s19, $0x3  }
0x1e: {  	s31 =	sadd.s32 s4, s19;
	s19 =	simm.s32 $0x0  }
0x1f: {  	[tilespmem:s11], [sflag:$0x1] =	stream.linear.gather [hbm4b:s31+s19], $0x10000, $0x38;
	[tilespmem:$0x1CA00] =	vst v63  }
0x20: {  	_ =	swait.ge [sflag:s9], $0x10000  }
0x21: {  	[sflag:s9] =	ssyncset.done $0x0  }
0x22: {  	s20 =	simm.s32 $0x0;
	[sflag:s9] =	ssyncadd.s32 $0xFFFF0000  }
.LBB2_3:
0x23: {  	v1 =	vmov s20  }
0x24: {  	v1 =	vshll.u32 v1, $0x7  }
0x25: {  	v1 =	vor.u32 v0, v1  }
0x26: {  	v2 =	vor.u32 $0x1, v1;
	_ =	sdelay $0x2  }
0x27: {  	v1 =	vor.u32 $0x2, v1;
	_ =	sdelay $0x1  }
0x28: {  	v2 =	vld.idx.msk [tilespmem:v2+s11+$0x0], $0xffff;
	_ =	sdelay $0x2  }
0x29: {  	v1 =	vld.idx.msk [tilespmem:v1+s11+$0x0], $0xffff;
	_ =	sdelay $0x1  }
0x2a: {  	v2 =	vmul.f32 $2.880000000e+02, v2;
	_ =	sdelay $0x1  }
0x2b: {  	v2 =	vtrunc.f32 v2  }
0x2c: {  	v1 =	vtrunc.f32 v1;
	v2 =	vcvt.f32.s32 v2  }
0x2d: {  	v3 =	vcvt.f32.s32 v1  }
0x2e: {  	vm0 =	vgt.s32 v2, $0x0  }
0x2f: {  	vm15 =	vgt.s32 v3, $0x0;
	v1 =	vnsel vm0, $0x0, v2  }
0x30: {  	v2 =	vnsel vm15, $0x0, v3;
	v1 =	vmin.u32 v1, $0x11F  }
0x31: {  	v2 =	vmin.u32 v2, $0x6;
	_ =	sdelay $0x3  }
0x32: {  	v3 =	vld.idx.msk [tilespmem:v1+s2+$0x0], $0xffff  }
0x33: {  	v4 =	vld.idx.msk [tilespmem:v2+s10+$0x0], $0xffff;
	_ =	sdelay $0x2  }
0x34: {  	v5 =	vadd.s32 $0x120, v1  }
0x35: {  	v6 =	vadd.s32 $0x7, v2  }
0x36: {  	s21 =	sand.u32 $0x70, s20;
	s22 =	sand.u32 $0xC00, s19;
	v3 =	vadd.f32 v4, v3  }
0x37: {  	s21 =	sor.u32 s21, s22  }
0x38: {  	[tilespmem:s21+$0x14A00] =	vst v3  }
0x39: {  	v3 =	vld.idx.msk [tilespmem:v5+s2+$0x0], $0xffff  }
0x3a: {  	v46 =	vld.idx.msk [tilespmem:v6+s10+$0x0], $0xffff;
	_ =	sdelay $0x2  }
0x3b: {  	v47 =	vadd.s32 $0x240, v1  }
0x3c: {  	v48 =	vadd.s32 $0xE, v2  }
0x3d: {  	v3 =	vadd.f32 v46, v3  }
0x3e: {  	s22 =	sadd.s32 $0x14A00, s21  }
0x3f: {  	[tilespmem:s22+$0x80] =	vst v3  }
0x40: {  	v3 =	vld.idx.msk [tilespmem:v47+s2+$0x0], $0xffff  }
0x41: {  	v49 =	vld.idx.msk [tilespmem:v48+s10+$0x0], $0xffff;
	_ =	sdelay $0x2  }
0x42: {  	v50 =	vadd.s32 $0x360, v1  }
0x43: {  	v51 =	vadd.s32 $0x15, v2  }
0x44: {  	v3 =	vadd.f32 v49, v3;
	_ =	sdelay $0x1  }
0x45: {  	[tilespmem:s22+$0x100] =	vst v3  }
0x46: {  	v52 =	vld.idx.msk [tilespmem:v50+s2+$0x0], $0xffff  }
0x47: {  	v53 =	vld.idx.msk [tilespmem:v51+s10+$0x0], $0xffff  }
0x48: {  	v3 =	vadd.s32 $0x480, v1  }
0x49: {  	v54 =	vand.u32 $0x780, v3;
	v3 =	vand.u32 $0x7F, v1  }
0x4a: {  	v6 =	vor.u32 v3, v54  }
0x4b: {  	v7 =	vadd.s32 $0x1C, v2  }
0x4c: {  	v4 =	vadd.f32 v53, v52;
	_ =	sdelay $0x1  }
0x4d: {  	[tilespmem:s22+$0x180] =	vst v4  }
0x4e: {  	v4 =	vld.idx.msk [tilespmem:v6+s2+$0x0], $0xffff  }
0x4f: {  	v55 =	vld.idx.msk [tilespmem:v7+s10+$0x0], $0xffff;
	_ =	sdelay $0x2  }
0x50: {  	v56 =	vadd.s32 $0x5A0, v1  }
0x51: {  	v57 =	vadd.s32 $0x23, v2  }
0x52: {  	v4 =	vadd.f32 v55, v4;
	_ =	sdelay $0x1  }
0x53: {  	[tilespmem:s22+$0x200] =	vst v4  }
0x54: {  	v4 =	vld.idx.msk [tilespmem:v56+s2+$0x0], $0xffff  }
0x55: {  	v58 =	vld.idx.msk [tilespmem:v57+s10+$0x0], $0xffff;
	_ =	sdelay $0x2  }
0x56: {  	v59 =	vadd.s32 $0x6C0, v1  }
0x57: {  	v60 =	vadd.s32 $0x2A, v2  }
0x58: {  	v4 =	vadd.f32 v58, v4;
	_ =	sdelay $0x1  }
0x59: {  	[tilespmem:s22+$0x280] =	vst v4  }
0x5a: {  	v4 =	vld.idx.msk [tilespmem:v59+s2+$0x0], $0xffff  }
0x5b: {  	v61 =	vld.idx.msk [tilespmem:v60+s10+$0x0], $0xffff;
	_ =	sdelay $0x2  }
0x5c: {  	v62 =	vadd.s32 $0x7E0, v1  }
0x5d: {  	v63 =	vadd.s32 $0x31, v2  }
0x5e: {  	v4 =	vadd.f32 v61, v4;
	_ =	sdelay $0x1  }
0x5f: {  	[tilespmem:s22+$0x300] =	vst v4  }
0x60: {  	v4 =	vld.idx.msk [tilespmem:v62+s2+$0x0], $0xffff  }
0x61: {  	v9 =	vld.idx.msk [tilespmem:v63+s10+$0x0], $0xffff  }
0x62: {  	v10 =	vadd.s32 $0x900, v1  }
0x63: {  	v6 =	vand.u32 $0xB80, v10  }
0x64: {  	v6 =	vor.u32 v3, v6  }
0x65: {  	v11 =	vor.u32 $0x38, v2  }
0x66: {  	s31 =	sor.u32 s19, s20;
	v4 =	vadd.f32 v9, v4  }
0x67: {  	s22 =	sor.u32 $0x380, s31  }
0x68: {  	[tilespmem:s22+$0x14A00] =	vst v4  }
0x69: {  	v4 =	vld.idx.msk [tilespmem:v6+s2+$0x0], $0xffff  }
0x6a: {  	v12 =	vld.idx.msk [tilespmem:v11+s10+$0x0], $0xffff;
	_ =	sdelay $0x2  }
0x6b: {  	v13 =	vadd.s32 $0xA20, v1  }
0x6c: {  	v14 =	vadd.s32 $0x3F, v2  }
0x6d: {  	v4 =	vadd.f32 v12, v4;
	_ =	sdelay $0x1  }
0x6e: {  	[tilespmem:s21+$0x15A00] =	vst v4  }
0x6f: {  	v4 =	vld.idx.msk [tilespmem:v13+s2+$0x0], $0xffff  }
0x70: {  	v15 =	vld.idx.msk [tilespmem:v14+s10+$0x0], $0xffff;
	_ =	sdelay $0x2  }
0x71: {  	v16 =	vadd.s32 $0xB40, v1  }
0x72: {  	v17 =	vadd.s32 $0x46, v2  }
0x73: {  	v4 =	vadd.f32 v15, v4;
	_ =	sdelay $0x1  }
0x74: {  	[tilespmem:s21+$0x15A80] =	vst v4  }
0x75: {  	v4 =	vld.idx.msk [tilespmem:v16+s2+$0x0], $0xffff  }
0x76: {  	v18 =	vld.idx.msk [tilespmem:v17+s10+$0x0], $0xffff;
	_ =	sdelay $0x2  }
0x77: {  	v19 =	vadd.s32 $0xC60, v1  }
0x78: {  	v20 =	vadd.s32 $0x4D, v2  }
0x79: {  	v4 =	vadd.f32 v18, v4;
	_ =	sdelay $0x1  }
0x7a: {  	[tilespmem:s21+$0x15B00] =	vst v4  }
0x7b: {  	v4 =	vld.idx.msk [tilespmem:v19+s2+$0x0], $0xffff  }
0x7c: {  	v21 =	vld.idx.msk [tilespmem:v20+s10+$0x0], $0xffff  }
0x7d: {  	v22 =	vadd.s32 $0xD80, v1  }
0x7e: {  	v6 =	vand.u32 $0xF80, v22  }
0x7f: {  	v6 =	vor.u32 v3, v6  }
0x80: {  	v23 =	vadd.s32 $0x54, v2  }
0x81: {  	v4 =	vadd.f32 v21, v4;
	_ =	sdelay $0x1  }
0x82: {  	[tilespmem:s21+$0x15B80] =	vst v4  }
0x83: {  	v4 =	vld.idx.msk [tilespmem:v6+s2+$0x0], $0xffff  }
0x84: {  	v24 =	vld.idx.msk [tilespmem:v23+s10+$0x0], $0xffff;
	_ =	sdelay $0x2  }
0x85: {  	v25 =	vadd.s32 $0xEA0, v1  }
0x86: {  	v26 =	vadd.s32 $0x5B, v2  }
0x87: {  	v4 =	vadd.f32 v24, v4;
	_ =	sdelay $0x1  }
0x88: {  	[tilespmem:s21+$0x15C00] =	vst v4  }
0x89: {  	v4 =	vld.idx.msk [tilespmem:v25+s2+$0x0], $0xffff  }
0x8a: {  	v27 =	vld.idx.msk [tilespmem:v26+s10+$0x0], $0xffff;
	_ =	sdelay $0x2  }
0x8b: {  	v28 =	vadd.s32 $0xFC0, v1  }
0x8c: {  	v29 =	vadd.s32 $0x62, v2  }
0x8d: {  	v4 =	vadd.f32 v27, v4;
	_ =	sdelay $0x1  }
0x8e: {  	[tilespmem:s21+$0x15C80] =	vst v4  }
0x8f: {  	v4 =	vld.idx.msk [tilespmem:v28+s2+$0x0], $0xffff  }
0x90: {  	v30 =	vld.idx.msk [tilespmem:v29+s10+$0x0], $0xffff;
	_ =	sdelay $0x2  }
0x91: {  	v31 =	vadd.s32 $0x10E0, v1  }
0x92: {  	v32 =	vadd.s32 $0x69, v2  }
0x93: {  	v4 =	vadd.f32 v30, v4;
	_ =	sdelay $0x1  }
0x94: {  	[tilespmem:s21+$0x15D00] =	vst v4  }
0x95: {  	v4 =	vld.idx.msk [tilespmem:v31+s2+$0x0], $0xffff  }
0x96: {  	v33 =	vld.idx.msk [tilespmem:v32+s10+$0x0], $0xffff;
	_ =	sdelay $0x2  }
0x97: {  	v34 =	vor.u32 $0x1200, v1  }
0x98: {  	v35 =	vor.u32 $0x70, v2  }
0x99: {  	v4 =	vadd.f32 v33, v4;
	_ =	sdelay $0x1  }
0x9a: {  	[tilespmem:s21+$0x15D80] =	vst v4  }
0x9b: {  	v4 =	vld.idx.msk [tilespmem:v34+s2+$0x0], $0xffff  }
0x9c: {  	v36 =	vld.idx.msk [tilespmem:v35+s10+$0x0], $0xffff;
	_ =	sdelay $0x2  }
0x9d: {  	v37 =	vadd.s32 $0x1320, v1  }
0x9e: {  	v38 =	vadd.s32 $0x77, v2  }
0x9f: {  	v4 =	vadd.f32 v36, v4;
	_ =	sdelay $0x1  }
0xa0: {  	[tilespmem:s21+$0x16A00] =	vst v4  }
0xa1: {  	v4 =	vld.idx.msk [tilespmem:v37+s2+$0x0], $0xffff  }
0xa2: {  	v39 =	vld.idx.msk [tilespmem:v38+s10+$0x0], $0xffff;
	_ =	sdelay $0x2  }
0xa3: {  	v40 =	vadd.s32 $0x1440, v1  }
0xa4: {  	v41 =	vadd.s32 $0x7E, v2  }
0xa5: {  	v4 =	vadd.f32 v39, v4;
	_ =	sdelay $0x1  }
0xa6: {  	[tilespmem:s21+$0x16A80] =	vst v4  }
0xa7: {  	v4 =	vld.idx.msk [tilespmem:v40+s2+$0x0], $0xffff  }
0xa8: {  	v42 =	vld.idx.msk [tilespmem:v41+s10+$0x0], $0xffff;
	_ =	sdelay $0x2  }
0xa9: {  	v43 =	vadd.s32 $0x1560, v1  }
0xaa: {  	v44 =	vadd.s32 $0x85, v2  }
0xab: {  	v4 =	vadd.f32 v42, v4;
	_ =	sdelay $0x1  }
0xac: {  	[tilespmem:s21+$0x16B00] =	vst v4  }
0xad: {  	v4 =	vld.idx.msk [tilespmem:v43+s2+$0x0], $0xffff  }
0xae: {  	v45 =	vld.idx.msk [tilespmem:v44+s10+$0x0], $0xffff  }
0xaf: {  	v46 =	vadd.s32 $0x1680, v1  }
0xb0: {  	v6 =	vand.u32 $0x1F80, v46  }
0xb1: {  	v6 =	vor.u32 v3, v6  }
0xb2: {  	v47 =	vadd.s32 $0x8C, v2  }
0xb3: {  	v4 =	vadd.f32 v45, v4;
	_ =	sdelay $0x1  }
0xb4: {  	[tilespmem:s21+$0x16B80] =	vst v4  }
0xb5: {  	v4 =	vld.idx.msk [tilespmem:v6+s2+$0x0], $0xffff  }
0xb6: {  	v48 =	vld.idx.msk [tilespmem:v47+s10+$0x0], $0xffff;
	_ =	sdelay $0x2  }
0xb7: {  	v49 =	vadd.s32 $0x17A0, v1  }
0xb8: {  	v50 =	vadd.s32 $0x93, v2  }
0xb9: {  	v4 =	vadd.f32 v48, v4;
	_ =	sdelay $0x1  }
0xba: {  	[tilespmem:s21+$0x16C00] =	vst v4  }
0xbb: {  	v4 =	vld.idx.msk [tilespmem:v49+s2+$0x0], $0xffff  }
0xbc: {  	v51 =	vld.idx.msk [tilespmem:v50+s10+$0x0], $0xffff;
	_ =	sdelay $0x2  }
0xbd: {  	v52 =	vadd.s32 $0x18C0, v1  }
0xbe: {  	v53 =	vadd.s32 $0x9A, v2  }
0xbf: {  	v4 =	vadd.f32 v51, v4;
	_ =	sdelay $0x1  }
0xc0: {  	[tilespmem:s21+$0x16C80] =	vst v4  }
0xc1: {  	v4 =	vld.idx.msk [tilespmem:v52+s2+$0x0], $0xffff  }
0xc2: {  	v54 =	vld.idx.msk [tilespmem:v53+s10+$0x0], $0xffff;
	_ =	sdelay $0x2  }
0xc3: {  	v55 =	vadd.s32 $0x19E0, v1  }
0xc4: {  	v56 =	vadd.s32 $0xA1, v2  }
0xc5: {  	v4 =	vadd.f32 v54, v4;
	_ =	sdelay $0x1  }
0xc6: {  	[tilespmem:s21+$0x16D00] =	vst v4  }
0xc7: {  	v4 =	vld.idx.msk [tilespmem:v55+s2+$0x0], $0xffff  }
0xc8: {  	v57 =	vld.idx.msk [tilespmem:v56+s10+$0x0], $0xffff  }
0xc9: {  	v58 =	vadd.s32 $0x1B00, v1  }
0xca: {  	v6 =	vand.u32 $0x1F80, v58  }
0xcb: {  	v6 =	vor.u32 v3, v6  }
0xcc: {  	v59 =	vor.u32 $0xA8, v2  }
0xcd: {  	v4 =	vadd.f32 v57, v4;
	_ =	sdelay $0x1  }
0xce: {  	[tilespmem:s21+$0x16D80] =	vst v4  }
0xcf: {  	v4 =	vld.idx.msk [tilespmem:v6+s2+$0x0], $0xffff  }
0xd0: {  	v60 =	vld.idx.msk [tilespmem:v59+s10+$0x0], $0xffff;
	_ =	sdelay $0x2  }
0xd1: {  	v61 =	vadd.s32 $0x1C20, v1  }
0xd2: {  	v62 =	vadd.s32 $0xAF, v2  }
0xd3: {  	v4 =	vadd.f32 v60, v4;
	_ =	sdelay $0x1  }
0xd4: {  	[tilespmem:s21+$0x17A00] =	vst v4  }
0xd5: {  	v4 =	vld.idx.msk [tilespmem:v61+s2+$0x0], $0xffff  }
0xd6: {  	v63 =	vld.idx.msk [tilespmem:v62+s10+$0x0], $0xffff;
	_ =	sdelay $0x2  }
0xd7: {  	v9 =	vadd.s32 $0x1D40, v1  }
0xd8: {  	v10 =	vadd.s32 $0xB6, v2  }
0xd9: {  	v4 =	vadd.f32 v63, v4;
	_ =	sdelay $0x1  }
0xda: {  	[tilespmem:s21+$0x17A80] =	vst v4  }
0xdb: {  	v4 =	vld.idx.msk [tilespmem:v9+s2+$0x0], $0xffff  }
0xdc: {  	v11 =	vld.idx.msk [tilespmem:v10+s10+$0x0], $0xffff;
	_ =	sdelay $0x2  }
0xdd: {  	v12 =	vadd.s32 $0x1E60, v1  }
0xde: {  	v13 =	vadd.s32 $0xBD, v2  }
0xdf: {  	v4 =	vadd.f32 v11, v4;
	_ =	sdelay $0x1  }
0xe0: {  	[tilespmem:s21+$0x17B00] =	vst v4  }
0xe1: {  	v4 =	vld.idx.msk [tilespmem:v12+s2+$0x0], $0xffff  }
0xe2: {  	v14 =	vld.idx.msk [tilespmem:v13+s10+$0x0], $0xffff  }
0xe3: {  	v15 =	vadd.s32 $0x1F80, v1  }
0xe4: {  	v6 =	vand.u32 $0x3F80, v15  }
0xe5: {  	v6 =	vor.u32 v3, v6  }
0xe6: {  	v16 =	vadd.s32 $0xC4, v2  }
0xe7: {  	v4 =	vadd.f32 v14, v4;
	_ =	sdelay $0x1  }
0xe8: {  	[tilespmem:s21+$0x17B80] =	vst v4  }
0xe9: {  	v4 =	vld.idx.msk [tilespmem:v6+s2+$0x0], $0xffff  }
0xea: {  	v17 =	vld.idx.msk [tilespmem:v16+s10+$0x0], $0xffff;
	_ =	sdelay $0x2  }
0xeb: {  	v18 =	vadd.s32 $0x20A0, v1  }
0xec: {  	v19 =	vadd.s32 $0xCB, v2  }
0xed: {  	v4 =	vadd.f32 v17, v4;
	_ =	sdelay $0x1  }
0xee: {  	[tilespmem:s21+$0x17C00] =	vst v4  }
0xef: {  	v4 =	vld.idx.msk [tilespmem:v18+s2+$0x0], $0xffff  }
0xf0: {  	v20 =	vld.idx.msk [tilespmem:v19+s10+$0x0], $0xffff;
	_ =	sdelay $0x2  }
0xf1: {  	v21 =	vadd.s32 $0x21C0, v1  }
0xf2: {  	v22 =	vadd.s32 $0xD2, v2  }
0xf3: {  	v4 =	vadd.f32 v20, v4;
	_ =	sdelay $0x1  }
0xf4: {  	[tilespmem:s21+$0x17C80] =	vst v4  }
0xf5: {  	v4 =	vld.idx.msk [tilespmem:v21+s2+$0x0], $0xffff  }
0xf6: {  	v23 =	vld.idx.msk [tilespmem:v22+s10+$0x0], $0xffff;
	_ =	sdelay $0x2  }
0xf7: {  	v24 =	vadd.s32 $0x22E0, v1  }
0xf8: {  	v25 =	vadd.s32 $0xD9, v2  }
0xf9: {  	v4 =	vadd.f32 v23, v4;
	_ =	sdelay $0x1  }
0xfa: {  	[tilespmem:s21+$0x17D00] =	vst v4  }
0xfb: {  	v4 =	vld.idx.msk [tilespmem:v24+s2+$0x0], $0xffff  }
0xfc: {  	v26 =	vld.idx.msk [tilespmem:v25+s10+$0x0], $0xffff;
	_ =	sdelay $0x2  }
0xfd: {  	v27 =	vor.u32 $0x2400, v1  }
0xfe: {  	v28 =	vor.u32 $0xE0, v2  }
0xff: {  	v4 =	vadd.f32 v26, v4;
	_ =	sdelay $0x1  }
0x100: {  	[tilespmem:s21+$0x17D80] =	vst v4  }
0x101: {  	v4 =	vld.idx.msk [tilespmem:v27+s2+$0x0], $0xffff  }
0x102: {  	v29 =	vld.idx.msk [tilespmem:v28+s10+$0x0], $0xffff;
	_ =	sdelay $0x2  }
0x103: {  	v30 =	vadd.s32 $0x2520, v1  }
0x104: {  	v31 =	vadd.s32 $0xE7, v2  }
0x105: {  	v4 =	vadd.f32 v29, v4;
	_ =	sdelay $0x1  }
0x106: {  	[tilespmem:s21+$0x18A00] =	vst v4  }
0x107: {  	v4 =	vld.idx.msk [tilespmem:v30+s2+$0x0], $0xffff  }
0x108: {  	v32 =	vld.idx.msk [tilespmem:v31+s10+$0x0], $0xffff;
	_ =	sdelay $0x2  }
0x109: {  	v33 =	vadd.s32 $0x2640, v1  }
0x10a: {  	v34 =	vadd.s32 $0xEE, v2  }
0x10b: {  	v4 =	vadd.f32 v32, v4;
	_ =	sdelay $0x1  }
0x10c: {  	[tilespmem:s21+$0x18A80] =	vst v4  }
0x10d: {  	v4 =	vld.idx.msk [tilespmem:v33+s2+$0x0], $0xffff  }
0x10e: {  	v35 =	vld.idx.msk [tilespmem:v34+s10+$0x0], $0xffff;
	_ =	sdelay $0x2  }
0x10f: {  	v36 =	vadd.s32 $0x2760, v1  }
0x110: {  	v37 =	vadd.s32 $0xF5, v2  }
0x111: {  	v4 =	vadd.f32 v35, v4;
	_ =	sdelay $0x1  }
0x112: {  	[tilespmem:s21+$0x18B00] =	vst v4  }
0x113: {  	v4 =	vld.idx.msk [tilespmem:v36+s2+$0x0], $0xffff  }
0x114: {  	v38 =	vld.idx.msk [tilespmem:v37+s10+$0x0], $0xffff  }
0x115: {  	v39 =	vadd.s32 $0x2880, v1  }
0x116: {  	v6 =	vand.u32 $0x2B80, v39  }
0x117: {  	v6 =	vor.u32 v3, v6  }
0x118: {  	v40 =	vadd.s32 $0xFC, v2  }
0x119: {  	v4 =	vadd.f32 v38, v4;
	_ =	sdelay $0x1  }
0x11a: {  	[tilespmem:s21+$0x18B80] =	vst v4  }
0x11b: {  	v4 =	vld.idx.msk [tilespmem:v6+s2+$0x0], $0xffff  }
0x11c: {  	v41 =	vld.idx.msk [tilespmem:v40+s10+$0x0], $0xffff;
	_ =	sdelay $0x2  }
0x11d: {  	v42 =	vadd.s32 $0x29A0, v1  }
0x11e: {  	v43 =	vadd.s32 $0x103, v2  }
0x11f: {  	v4 =	vadd.f32 v41, v4;
	_ =	sdelay $0x1  }
0x120: {  	[tilespmem:s21+$0x18C00] =	vst v4  }
0x121: {  	v4 =	vld.idx.msk [tilespmem:v42+s2+$0x0], $0xffff  }
0x122: {  	v44 =	vld.idx.msk [tilespmem:v43+s10+$0x0], $0xffff;
	_ =	sdelay $0x2  }
0x123: {  	v45 =	vadd.s32 $0x2AC0, v1  }
0x124: {  	v46 =	vadd.s32 $0x10A, v2  }
0x125: {  	v4 =	vadd.f32 v44, v4;
	_ =	sdelay $0x1  }
0x126: {  	[tilespmem:s21+$0x18C80] =	vst v4  }
0x127: {  	v4 =	vld.idx.msk [tilespmem:v45+s2+$0x0], $0xffff  }
0x128: {  	v47 =	vld.idx.msk [tilespmem:v46+s10+$0x0], $0xffff;
	_ =	sdelay $0x2  }
0x129: {  	v48 =	vadd.s32 $0x2BE0, v1  }
0x12a: {  	v49 =	vadd.s32 $0x111, v2  }
0x12b: {  	v4 =	vadd.f32 v47, v4;
	_ =	sdelay $0x1  }
0x12c: {  	[tilespmem:s21+$0x18D00] =	vst v4  }
0x12d: {  	v4 =	vld.idx.msk [tilespmem:v48+s2+$0x0], $0xffff  }
0x12e: {  	v50 =	vld.idx.msk [tilespmem:v49+s10+$0x0], $0xffff  }
0x12f: {  	v51 =	vadd.s32 $0x2D00, v1  }
0x130: {  	v6 =	vand.u32 $0x2F80, v51  }
0x131: {  	v6 =	vor.u32 v3, v6  }
0x132: {  	v52 =	vor.u32 $0x118, v2  }
0x133: {  	v4 =	vadd.f32 v50, v4;
	_ =	sdelay $0x1  }
0x134: {  	[tilespmem:s21+$0x18D80] =	vst v4  }
0x135: {  	v4 =	vld.idx.msk [tilespmem:v6+s2+$0x0], $0xffff  }
0x136: {  	v53 =	vld.idx.msk [tilespmem:v52+s10+$0x0], $0xffff;
	_ =	sdelay $0x2  }
0x137: {  	v54 =	vadd.s32 $0x2E20, v1  }
0x138: {  	v55 =	vadd.s32 $0x11F, v2  }
0x139: {  	v4 =	vadd.f32 v53, v4;
	_ =	sdelay $0x1  }
0x13a: {  	[tilespmem:s21+$0x19A00] =	vst v4  }
0x13b: {  	v4 =	vld.idx.msk [tilespmem:v54+s2+$0x0], $0xffff  }
0x13c: {  	v56 =	vld.idx.msk [tilespmem:v55+s10+$0x0], $0xffff;
	_ =	sdelay $0x2  }
0x13d: {  	v57 =	vadd.s32 $0x2F40, v1  }
0x13e: {  	v58 =	vadd.s32 $0x126, v2  }
0x13f: {  	v4 =	vadd.f32 v56, v4;
	_ =	sdelay $0x1  }
0x140: {  	[tilespmem:s21+$0x19A80] =	vst v4  }
0x141: {  	v4 =	vld.idx.msk [tilespmem:v57+s2+$0x0], $0xffff  }
0x142: {  	v59 =	vld.idx.msk [tilespmem:v58+s10+$0x0], $0xffff;
	_ =	sdelay $0x2  }
0x143: {  	v60 =	vadd.s32 $0x3060, v1  }
0x144: {  	v61 =	vadd.s32 $0x12D, v2  }
0x145: {  	v4 =	vadd.f32 v59, v4;
	_ =	sdelay $0x1  }
0x146: {  	[tilespmem:s21+$0x19B00] =	vst v4  }
0x147: {  	v4 =	vld.idx.msk [tilespmem:v60+s2+$0x0], $0xffff  }
0x148: {  	v62 =	vld.idx.msk [tilespmem:v61+s10+$0x0], $0xffff  }
0x149: {  	v63 =	vadd.s32 $0x3180, v1  }
0x14a: {  	v6 =	vand.u32 $0x3380, v63  }
0x14b: {  	v6 =	vor.u32 v3, v6  }
0x14c: {  	v9 =	vadd.s32 $0x134, v2  }
0x14d: {  	v4 =	vadd.f32 v62, v4;
	_ =	sdelay $0x1  }
0x14e: {  	[tilespmem:s21+$0x19B80] =	vst v4  }
0x14f: {  	v4 =	vld.idx.msk [tilespmem:v6+s2+$0x0], $0xffff  }
0x150: {  	v10 =	vld.idx.msk [tilespmem:v9+s10+$0x0], $0xffff;
	_ =	sdelay $0x2  }
0x151: {  	v11 =	vadd.s32 $0x32A0, v1  }
0x152: {  	v12 =	vadd.s32 $0x13B, v2  }
0x153: {  	v4 =	vadd.f32 v10, v4;
	_ =	sdelay $0x1  }
0x154: {  	[tilespmem:s21+$0x19C00] =	vst v4  }
0x155: {  	v4 =	vld.idx.msk [tilespmem:v11+s2+$0x0], $0xffff  }
0x156: {  	v13 =	vld.idx.msk [tilespmem:v12+s10+$0x0], $0xffff;
	_ =	sdelay $0x2  }
0x157: {  	v14 =	vadd.s32 $0x33C0, v1  }
0x158: {  	v15 =	vadd.s32 $0x142, v2  }
0x159: {  	v4 =	vadd.f32 v13, v4;
	_ =	sdelay $0x1  }
0x15a: {  	[tilespmem:s21+$0x19C80] =	vst v4  }
0x15b: {  	v4 =	vld.idx.msk [tilespmem:v14+s2+$0x0], $0xffff  }
0x15c: {  	v16 =	vld.idx.msk [tilespmem:v15+s10+$0x0], $0xffff;
	_ =	sdelay $0x2  }
0x15d: {  	v17 =	vadd.s32 $0x34E0, v1  }
0x15e: {  	v18 =	vadd.s32 $0x149, v2  }
0x15f: {  	v4 =	vadd.f32 v16, v4;
	_ =	sdelay $0x1  }
0x160: {  	[tilespmem:s21+$0x19D00] =	vst v4  }
0x161: {  	v4 =	vld.idx.msk [tilespmem:v17+s2+$0x0], $0xffff  }
0x162: {  	v19 =	vld.idx.msk [tilespmem:v18+s10+$0x0], $0xffff;
	_ =	sdelay $0x2  }
0x163: {  	v20 =	vor.u32 $0x3600, v1  }
0x164: {  	v21 =	vor.u32 $0x150, v2  }
0x165: {  	v4 =	vadd.f32 v19, v4;
	_ =	sdelay $0x1  }
0x166: {  	[tilespmem:s21+$0x19D80] =	vst v4  }
0x167: {  	v4 =	vld.idx.msk [tilespmem:v20+s2+$0x0], $0xffff  }
0x168: {  	v22 =	vld.idx.msk [tilespmem:v21+s10+$0x0], $0xffff;
	_ =	sdelay $0x2  }
0x169: {  	v23 =	vadd.s32 $0x3720, v1  }
0x16a: {  	v24 =	vadd.s32 $0x157, v2  }
0x16b: {  	v4 =	vadd.f32 v22, v4;
	_ =	sdelay $0x1  }
0x16c: {  	[tilespmem:s21+$0x1AA00] =	vst v4  }
0x16d: {  	v4 =	vld.idx.msk [tilespmem:v23+s2+$0x0], $0xffff  }
0x16e: {  	v25 =	vld.idx.msk [tilespmem:v24+s10+$0x0], $0xffff;
	_ =	sdelay $0x2  }
0x16f: {  	v26 =	vadd.s32 $0x3840, v1  }
0x170: {  	v27 =	vadd.s32 $0x15E, v2  }
0x171: {  	v4 =	vadd.f32 v25, v4;
	_ =	sdelay $0x1  }
0x172: {  	[tilespmem:s21+$0x1AA80] =	vst v4  }
0x173: {  	v4 =	vld.idx.msk [tilespmem:v26+s2+$0x0], $0xffff  }
0x174: {  	v28 =	vld.idx.msk [tilespmem:v27+s10+$0x0], $0xffff;
	_ =	sdelay $0x2  }
0x175: {  	v29 =	vadd.s32 $0x3960, v1  }
0x176: {  	v30 =	vadd.s32 $0x165, v2  }
0x177: {  	v4 =	vadd.f32 v28, v4;
	_ =	sdelay $0x1  }
0x178: {  	[tilespmem:s21+$0x1AB00] =	vst v4  }
0x179: {  	v4 =	vld.idx.msk [tilespmem:v29+s2+$0x0], $0xffff  }
0x17a: {  	v31 =	vld.idx.msk [tilespmem:v30+s10+$0x0], $0xffff  }
0x17b: {  	v32 =	vadd.s32 $0x3A80, v1  }
0x17c: {  	v6 =	vand.u32 $0x3F80, v32  }
0x17d: {  	v6 =	vor.u32 v3, v6  }
0x17e: {  	v33 =	vadd.s32 $0x16C, v2  }
0x17f: {  	v4 =	vadd.f32 v31, v4;
	_ =	sdelay $0x1  }
0x180: {  	[tilespmem:s21+$0x1AB80] =	vst v4  }
0x181: {  	v4 =	vld.idx.msk [tilespmem:v6+s2+$0x0], $0xffff  }
0x182: {  	v34 =	vld.idx.msk [tilespmem:v33+s10+$0x0], $0xffff;
	_ =	sdelay $0x2  }
0x183: {  	v35 =	vadd.s32 $0x3BA0, v1  }
0x184: {  	v36 =	vadd.s32 $0x173, v2  }
0x185: {  	v4 =	vadd.f32 v34, v4;
	_ =	sdelay $0x1  }
0x186: {  	[tilespmem:s21+$0x1AC00] =	vst v4  }
0x187: {  	v4 =	vld.idx.msk [tilespmem:v35+s2+$0x0], $0xffff  }
0x188: {  	v37 =	vld.idx.msk [tilespmem:v36+s10+$0x0], $0xffff;
	_ =	sdelay $0x2  }
0x189: {  	v38 =	vadd.s32 $0x3CC0, v1  }
0x18a: {  	v39 =	vadd.s32 $0x17A, v2  }
0x18b: {  	v4 =	vadd.f32 v37, v4;
	_ =	sdelay $0x1  }
0x18c: {  	[tilespmem:s21+$0x1AC80] =	vst v4  }
0x18d: {  	v4 =	vld.idx.msk [tilespmem:v38+s2+$0x0], $0xffff  }
0x18e: {  	v40 =	vld.idx.msk [tilespmem:v39+s10+$0x0], $0xffff;
	_ =	sdelay $0x2  }
0x18f: {  	v41 =	vadd.s32 $0x3DE0, v1  }
0x190: {  	v42 =	vadd.s32 $0x181, v2  }
0x191: {  	v4 =	vadd.f32 v40, v4;
	_ =	sdelay $0x1  }
0x192: {  	[tilespmem:s21+$0x1AD00] =	vst v4  }
0x193: {  	v4 =	vld.idx.msk [tilespmem:v41+s2+$0x0], $0xffff  }
0x194: {  	v43 =	vld.idx.msk [tilespmem:v42+s10+$0x0], $0xffff  }
0x195: {  	v44 =	vadd.s32 $0x3F00, v1  }
0x196: {  	v6 =	vand.u32 $0x7F80, v44  }
0x197: {  	v6 =	vor.u32 v3, v6  }
0x198: {  	v45 =	vor.u32 $0x188, v2  }
0x199: {  	v4 =	vadd.f32 v43, v4;
	_ =	sdelay $0x1  }
0x19a: {  	[tilespmem:s21+$0x1AD80] =	vst v4  }
0x19b: {  	v4 =	vld.idx.msk [tilespmem:v6+s2+$0x0], $0xffff  }
0x19c: {  	v46 =	vld.idx.msk [tilespmem:v45+s10+$0x0], $0xffff;
	_ =	sdelay $0x2  }
0x19d: {  	v47 =	vadd.s32 $0x4020, v1  }
0x19e: {  	v48 =	vadd.s32 $0x18F, v2  }
0x19f: {  	v4 =	vadd.f32 v46, v4;
	_ =	sdelay $0x1  }
0x1a0: {  	[tilespmem:s21+$0x1BA00] =	vst v4  }
0x1a1: {  	v4 =	vld.idx.msk [tilespmem:v47+s2+$0x0], $0xffff  }
0x1a2: {  	v49 =	vld.idx.msk [tilespmem:v48+s10+$0x0], $0xffff;
	_ =	sdelay $0x2  }
0x1a3: {  	v50 =	vadd.s32 $0x4140, v1  }
0x1a4: {  	v51 =	vadd.s32 $0x196, v2  }
0x1a5: {  	v4 =	vadd.f32 v49, v4;
	_ =	sdelay $0x1  }
0x1a6: {  	[tilespmem:s21+$0x1BA80] =	vst v4  }
0x1a7: {  	v4 =	vld.idx.msk [tilespmem:v50+s2+$0x0], $0xffff  }
0x1a8: {  	v52 =	vld.idx.msk [tilespmem:v51+s10+$0x0], $0xffff;
	_ =	sdelay $0x2  }
0x1a9: {  	v53 =	vadd.s32 $0x4260, v1  }
0x1aa: {  	v54 =	vadd.s32 $0x19D, v2  }
0x1ab: {  	v4 =	vadd.f32 v52, v4;
	_ =	sdelay $0x1  }
0x1ac: {  	[tilespmem:s21+$0x1BB00] =	vst v4  }
0x1ad: {  	v4 =	vld.idx.msk [tilespmem:v53+s2+$0x0], $0xffff  }
0x1ae: {  	v55 =	vld.idx.msk [tilespmem:v54+s10+$0x0], $0xffff  }
0x1af: {  	v56 =	vadd.s32 $0x4380, v1  }
0x1b0: {  	v6 =	vand.u32 $0x4780, v56  }
0x1b1: {  	v3 =	vor.u32 v3, v6  }
0x1b2: {  	v57 =	vadd.s32 $0x1A4, v2  }
0x1b3: {  	v4 =	vadd.f32 v55, v4;
	_ =	sdelay $0x1  }
0x1b4: {  	[tilespmem:s21+$0x1BB80] =	vst v4  }
0x1b5: {  	v3 =	vld.idx.msk [tilespmem:v3+s2+$0x0], $0xffff  }
0x1b6: {  	v4 =	vld.idx.msk [tilespmem:v57+s10+$0x0], $0xffff;
	_ =	sdelay $0x2  }
0x1b7: {  	v58 =	vadd.s32 $0x44A0, v1  }
0x1b8: {  	v59 =	vadd.s32 $0x1AB, v2  }
0x1b9: {  	v3 =	vadd.f32 v4, v3;
	_ =	sdelay $0x1  }
0x1ba: {  	[tilespmem:s21+$0x1BC00] =	vst v3  }
0x1bb: {  	v3 =	vld.idx.msk [tilespmem:v58+s2+$0x0], $0xffff  }
0x1bc: {  	v60 =	vld.idx.msk [tilespmem:v59+s10+$0x0], $0xffff;
	_ =	sdelay $0x2  }
0x1bd: {  	v61 =	vadd.s32 $0x45C0, v1  }
0x1be: {  	v62 =	vadd.s32 $0x1B2, v2  }
0x1bf: {  	v3 =	vadd.f32 v60, v3;
	_ =	sdelay $0x1  }
0x1c0: {  	[tilespmem:s21+$0x1BC80] =	vst v3  }
0x1c1: {  	v3 =	vld.idx.msk [tilespmem:v61+s2+$0x0], $0xffff  }
0x1c2: {  	v63 =	vld.idx.msk [tilespmem:v62+s10+$0x0], $0xffff;
	_ =	sdelay $0x2  }
0x1c3: {  	v1 =	vadd.s32 $0x46E0, v1  }
0x1c4: {  	v2 =	vadd.s32 $0x1B9, v2  }
0x1c5: {  	v3 =	vadd.f32 v63, v3;
	_ =	sdelay $0x1  }
0x1c6: {  	[tilespmem:s21+$0x1BD00] =	vst v3  }
0x1c7: {  	v1 =	vld.idx.msk [tilespmem:v1+s2+$0x0], $0xffff  }
0x1c8: {  	v2 =	vld.idx.msk [tilespmem:v2+s10+$0x0], $0xffff;
	_ =	sdelay $0x1  }
0x1c9: {  	p0 =	sne.s32 s20, $0x1F0  }
.Ltmp0:
0x1ca: {  	_ = 	snop;
	(pc) =	sbr.rel @p0 .LBB2_3-.Ltmp0, $3  }
0x1cb: {  	_ = 	snop  }
0x1cc: {  	v1 =	vadd.f32 v2, v1;
	_ =	sdelay $0x1  }
0x1cd: {  	s19 =	sadd.s32 $0x80, s19;
	s20 =	sadd.s32 $0x10, s20;
	[tilespmem:s21+$0x1BD80] =	vst v1  }
0x1ce: {  	s17 =	sshll.u32 s17, $0xF;
	s16 =	sadd.s32 $0x1, s16  }
0x1cf: {  	s18 =	sadd.s32 s6, s18;
	s17 =	sand.u32 $0x1FFF8000, s17;
	p0 =	sne.s32 s16, $0x10  }
.Ltmp1:
0x1d0: {  	s17 =	sadd.s32 s17, s18;
	(pc) =	sbr.rel @p0 .LBB2_2-.Ltmp1, $4  }
0x1d1: {  	[hbm4b:s17+s12] =	stream.strided.scatter [tilespmem:s14], [sflag:$0x1], $0x8000, s13, s12, $0x38;
	[tilespmem:$0x1CA00] =	vst v63  }
0x1d2: {  	_ =	swait.ge [sflag:s9], $0x8000  }
0x1d3: {  	[sflag:s9] =	ssyncset.done $0x0  }
0x1d4: {  	[sflag:s9] =	ssyncadd.s32 $0xFFFF8000  }
0x1d5: {  	s15 =	sadd.s32 $0x1, s15  }
0x1d6: {  	p0 =	sne.s32 s15, s8  }
.Ltmp2:
0x1d7: {  	_ = 	snop;
	(pc) =	sbr.rel @p0 .LBB2_1-.Ltmp2, $1  }
0x1d8: {  	_ =	sdelay $0x3  }
0x1d9: {  	_ =	sfence.sel $0x180000  }
0x1da: {  	[bflag:$0x0] =	sbarrier.arrive $0xFFFF  }
0x1db: {  	p0 =	sne.s32 s3, $0x0;
	_ =	strace $0x90000047  }
0x1dc: {  	s0 =	sadd.s32 @!p0 $0x100000, s0;
	[bflag:$0x2] =	sbarrier.arrive $0xFFFF  }
0x1dd: {  	[sflag:s0] =	ssyncadd.tile.s32 @!p0 $0x1;
	_ =	shalt  }
.Lfunc_end2:
_tile_overlayer_lowered:
.L_overlay_start_2:
0x1de: {  	(tag) =	ssettag $0x2  }
0x1df: {  	s0 =	rddreg [dreg:$0x0];
	s2 =	stileid.u32  }
0x1e0: {  	s1 =	rddreg [dreg:$0x1];
	p0 =	sne.s32 s2, $0x0  }
0x1e1: {  	s3 =	rddreg [dreg:$0x2];
	[bflag:$0x3] =	sbarrier.arrive $0xFFFF;
	s2 =	simm.s32 @!p0 $0x1C01  }
0x1e2: {  	[timem:s3], [sflag:s2] =	dma.local @!p0 [hbm:s0], s1  }
0x1e3: {  	s0 =	simm.s32 @!p0 $0x1  }
0x1e4: {  	_ =	swait.ge @!p0 [sflag:s0], s1  }
0x1e5: {  	s1 =	ssub.s32 @!p0 $0x0, s1;
	[sflag:s0] =	ssyncset.done @!p0 $0x0  }
0x1e6: {  	[sflag:s0] =	ssyncadd.s32 @!p0 s1  }
0x1e7: {  	[bflag:$0x3] =	sbarrier.arrive $0xFFFF  }
0x1e8: {  	_ =	shalt  }

// kernel: sparse-core-data-format-call.cloned.1.call-start
scs
called_computation_lowered:
.L_overlay_start_0:
0x0: {  	s2 =	sld [smem:$0x3FD9]  }
0x1: {  	s3 =	sld [smem:$0x3FFE];
	_ =	sdelay $0x1  }
0x2: {  	s1 =	srdreg.scid  }
0x3: {  	s0 =	sand.u32 $0x1, s1  }
0x4: {  	s18 =	sshll.u32 s0, $0xA;
	s2 =	sadd.s32 s3, s2  }
0x5: {  	s2 =	sadd.s32 s2, s18  }
0x6: {  	[smem:$0x3FC5] =	sst s2  }
0x7: {  	_ = 	snop  }
0x8: {  	s2 =	sld [smem:$0x3FD0];
	(tm) =	ssettm $0x1  }
0x9: {  	s19 =	sld [smem:$0x3FFB];
	_ =	sdelay $0x3  }
0xa: {  	_ =	strace s19  }
0xb: {  	s3 =	sld [smem:$0x3FFC];
	_ =	sdelay $0x3  }
0xc: {  	_ =	strace s3  }
0xd: {  	s3 =	sld [smem:$0x3FFD];
	_ =	sdelay $0x3  }
0xe: {  	_ =	strace s3  }
0xf: {  	_ =	strace $0x8FFFFFFF  }
0x10: {  	s20 =	sld [smem:$0x3FDB];
	_ =	sdelay $0x1  }
0x11: {  	s4 =	simm.s32 $_scs_section_size  }
0x12: {  	s5 =	simm.s32 $_size__tile_overlayer_lowered;
	s6 =	simm.s32 $_tile_overlayer_lowered  }
0x13: {  	s23 =	simm.s32 $0x1BFF;
	s22 =	sshll.u32 s6, $0x1;
	s3 =	sadd.s32 s4, s20  }
0x14: {  	s7 =	simm.s32 $0x0;
	s21 =	sshll.u32 s5, $0x1;
	s5 =	sadd.s32 s22, s3  }
0x15: {  	[timem:s7], [sflag:s23] =	dma.local [hbm:s5], s21  }
0x16: {  	_ =	swait.ge [sflag:s23], s21  }
0x17: {  	s4 =	ssub.s32 $0x0, s21;
	[sflag:s23] =	ssyncset.done $0x0  }
0x18: {  	[sflag:s23] =	ssyncadd.s32 s4;
	_ =	sdelay $0x1  }
0x19: {  	s24 =	simm.s32 $0x1B8B  }
0x1a: {  	_ =	swait.ge [sflag:s24], $0x1  }
0x1b: {  	[sflag:s24] =	ssyncset.done $0x0  }
0x1c: {  	s26 =	simm.s32 $0x1B8E;
	s25 =	sld [smem:$0x3FFE];
	[sflag:s24] =	ssyncadd.s32 $0xFFFFFFFF  }
0x1d: {  	s27 =	simm.s32 $execute0_lowered;
	[smem:$0x3FD2] =	sst s26  }
0x1e: {  	s5 =	sshll.u32 s27, $0x1;
	_ =	strace $0x80000049;
	[dreg:$0x1] =	wrdreg $0xFFFFFFFF  }
0x1f: {  	s28 =	simm.s32 $_size_execute0_lowered;
	s3 =	sadd.s32 s3, s5;
	[dreg:$0x0] =	wrdreg $0x0  }
0x20: {  	s5 =	sshll.u32 s28, $0x1;
	[dreg:$0x2] =	wrdreg s3  }
0x21: {  	[dreg:$0x3] =	wrdreg s5  }
0x22: {  	[dreg:$0x4] =	wrdreg $0xC0  }
0x23: {  	_ =	task [dreg:s7], $0x5FFFF  }
0x24: {  	[dreg:$0x1] =	wrdreg $0xFFFFFFFF  }
0x25: {  	[dreg:$0x0] =	wrdreg $0x60  }
0x26: {  	[dreg:$0x2] =	wrdreg s25  }
0x27: {  	[dreg:$0x3] =	wrdreg s2  }
0x28: {  	[dreg:$0x4] =	wrdreg $0x9  }
0x29: {  	_ =	task.clear_ibuf [dreg:s7], $0x5FFFF;
	_ =	strace $0x90000049  }
0x2a: {  	s29 =	simm.s32 $0x9;
	_ =	strace $0x8000004B  }
0x2b: {  	_ =	swait.ge [sflag:s29], $0x1  }
0x2c: {  	[sflag:s29] =	ssyncadd.s32 $0xFFFFFFFF  }
0x2d: {  	_ =	strace $0x9000004B  }
0x2e: {  	_ =	sfence  }
0x2f: {  	s30 =	sld [smem:$0x0];
	_ =	sdelay $0x2  }
0x30: {  	s31 =	sshll.u32 s1, $0xD;
	s1 =	sshrl.u32 s1, $0x2  }
0x31: {  	s3 =	sand.u32 $0x4000, s31;
	s1 =	sadd.s32 s1, s30  }
0x32: {  	s0 =	sor.u32 s3, s0;
	s1 =	sshll.u32 s1, $0x11  }
0x33: {  	s0 =	sor.u32 s1, s0  }
0x34: {  	s0 =	sadd.s32 $0x8F2B, s0  }
0x35: {  	[sflag:s0] =	ssyncadd.remote.s32 $0x1  }
0x36: {  	_ =	sfence.sel $0xFFFF  }
0x37: {  	[dreg:$0x0] =	wrdreg $0xFFFFFFFF;
	(pc) =	sbr.abs _section_cstart, $3  }
0x38: {  	[dreg:$0x1] =	wrdreg $0xFFFFFFFF  }
0x39: {  	_ =	task.clear_ibuf [dreg:s7], $0x2FFFF;
	_ =	strace $0x9FFFFFFF  }
0x3a: {  	(tm) =	ssettm $0x7FFFFFFF  }
0x3b: {  	_ =	shalt  }
tec
execute0_lowered:
.L_overlay_start_1:
0x0: {  	(tag) =	ssettag $0x1  }
0x1: {  	s1 =	rddreg [dreg:$0x0]  }
0x2: {  	s2 =	rddreg [dreg:$0x1]  }
0x3: {  	s0 =	rddreg [dreg:$0x2]  }
0x4: {  	s4 =	srdreg.scid;
	_ =	strace $0x8000004A;
	s6 =	simm.s32 $0x2  }
0x5: {  	s11 =	simm.s32 $0x0;
	p0 =	por $0x0, $0x0;
	s12 =	simm.s32 $0x0  }
.Ltmp0:
0x6: {  	s13 =	simm.s32 $0x0;
	s8 =	simm.s32 $0x0;
	(pc) =	sbr.rel .LBB1_1-.Ltmp0, $4  }
0x7: {  	s9 =	simm.s32 $0x0;
	s3 =	sadd.s32 $0x3000A00, s1;
	s4 =	sshll.u32 s4, $0x4  }
0x8: {  	s1 =	stileid.u32;
	s5 =	sand.u32 $0x10, s4;
	s4 =	simm.s32 $0x1  }
0x9: {  	s7 =	simm.s32 $0x0;
	s5 =	sor.u32 s1, s5;
	[sflag:s4] =	ssyncpa.u1 $0x0  }
0xa: {  	[sflag:s6] =	ssyncpa.u1 $0x0;
	s6 =	simm.s32 $0x1000;
	s10 =	smov.u32 s5  }
.LBB1_7:
0xb: {  	s14 =	sadd.s32 $0x800, s8  }
0xc: {  	s11 =	sadd.s32 $0x8, s9;
	s15 =	smov.u32 s9;
	p2 =	sgt.s32 s14, $0xFFF  }
0xd: {  	s15 =	smov.u32 @p2 s11  }
0xe: {  	s17 =	smov.u32 s10;
	s11 =	sadd.s32 $0x20, s10;
	p3 =	sgt.s32 s15, $0x3F  }
0xf: {  	p1 =	slt.u32 s7, $0x2;
	s17 =	smov.u32 @p3 s11  }
0x10: {  	s7 =	sadd.s32 $0x1, s7;
	s14 =	simm.s32 @p2 $0x0;
	p2 =	sgt.s32 s17, $0x3F  }
0x11: {  	s17 =	smov.u32 @p2 s5;
	p2 =	sne.s32 s7, $0x22  }
.Ltmp1:
0x12: {  	s16 =	simm.s32 @!p1 $0x2;
	(pc) =	sbr.rel @!p2 .LBB1_8-.Ltmp1, $4  }
0x13: {  	s12 =	smov.u32 s9;
	_ =	swait.ge @!p1 [sflag:s16], $0x4000  }
0x14: {  	s13 =	smov.u32 s10;
	p0 =	por !p0, !p0;
	[sflag:s16] =	ssyncset.done @!p1 $0x0  }
0x15: {  	s15 =	simm.s32 @p3 $0x0;
	s11 =	smov.u32 s8;
	[sflag:s16] =	ssyncadd.s32 @!p1 $0xFFFFC000  }
0x16: {  	s8 =	smov.u32 s14;
	s9 =	smov.u32 s15;
	s10 =	smov.u32 s17  }
.LBB1_1:
0x17: {  	p1 =	sgt.u32 s7, $0x1F  }
0x18: {  	s14 =	sxor.u32 @!p1 $0xFFFFFFFF, s7;
	s15 =	sand.u32 @!p1 $0x78, s8;
	s16 =	sshll.u32 @!p1 s9, $0xC  }
0x19: {  	s17 =	sshll.u32 @!p1 s8, $0x3;
	s18 =	sshll.u32 @!p1 s9, $0x7;
	s16 =	sand.u32 @!p1 $0x38000, s16  }
0x1a: {  	s18 =	sand.u32 @!p1 $0x380, s18;
	s16 =	sadd.s32 @!p1 s16, s17;
	s17 =	sand.u32 @!p1 $0xC00, s17  }
0x1b: {  	s15 =	sor.u32 @!p1 s18, s15;
	s18 =	sshll.u32 @!p1 s10, $0xF;
	s16 =	sshrl.u32 @!p1 s16, $0x3  }
0x1c: {  	s15 =	sor.u32 @!p1 s17, s15;
	s17 =	sadd.s32 @!p1 s3, s18;
	s16 =	sand.u32 @!p1 $0x7E00, s16  }
0x1d: {  	s14 =	sshll.u32 @!p1 s14, $0xE;
	s15 =	sshrl.u32 @!p1 s15, $0x3;
	s16 =	sadd.s32 @!p1 s16, s17  }
0x1e: {  	s14 =	sand.u32 @!p1 $0x4000, s14;
	s15 =	sadd.s32 @!p1 s15, s16;
	s16 =	sand.u32 @!p1 $0x7, s8  }
0x1f: {  	[tilespmem:s14], [sflag:$0x1] =	stream.linear.gather @!p1 [hbm4b:s15+s16], $0x4000, $0x38;
	[tilespmem:$0x10000] =	vst v63  }
0x20: {  	p1 =	seq.s32 s7, $0x0  }
0x21: {  	p2 =	seq.s32 @!p1 s7, $0x21  }
0x22: {  	p1 =	por p1, p2  }
.Ltmp2:
0x23: {  	_ = 	snop;
	(pc) =	sbr.rel @p1 .LBB1_7-.Ltmp2, $1  }
0x24: {  	_ =	sdelay $0x3  }
0x25: {  	s14 =	simm.s32 $0x1;
	_ =	swait.ge [sflag:s4], $0x4000;
	s17 =	sshll.u32 s7, $0xE  }
0x26: {  	s14 =	simm.s32 @!p0 $0x0;
	[sflag:s4] =	ssyncset.done $0x0;
	s31 =	sand.u32 $0x4000, s17  }
0x27: {  	s17 =	simm.s32 $0x0;
	s14 =	sshll.u32 s14, $0xE;
	[sflag:s4] =	ssyncadd.s32 $0xFFFFC000  }
0x28: {  	s15 =	sor.u32 $0x8100, s14;
	s16 =	sor.u32 $0x800, s14;
	s14 =	sor.u32 $0x8000, s31  }
.LBB1_3:
0x29: {  	v0 =	vld [tilespmem:s16+$0x470]  }
0x2a: {  	v1 =	vld [tilespmem:s16+$0xFFFFF810]  }
0x2b: {  	v2 =	vld [tilespmem:s16+$0xFFFFF820]  }
0x2c: {  	v3 =	vld [tilespmem:s16+$0xFFFFF830]  }
0x2d: {  	v4 =	vld [tilespmem:s16+$0xFFFFF840]  }
0x2e: {  	v5 =	vld [tilespmem:s16+$0xFFFFF850];
	[tilespmem:s15+$0xF0] =	vst v0  }
0x2f: {  	[tilespmem:s15+$0xFFFFFF10] =	vst v1;
	v0 =	vld [tilespmem:s16+$0xFFFFF860]  }
0x30: {  	[tilespmem:s15+$0xFFFFFF20] =	vst v2;
	v1 =	vld [tilespmem:s16+$0xFFFFF870]  }
0x31: {  	[tilespmem:s15+$0xFFFFFF30] =	vst v3;
	v2 =	vld [tilespmem:s16+$0xFFFFFC00]  }
0x32: {  	[tilespmem:s15+$0xFFFFFF40] =	vst v4;
	v3 =	vld [tilespmem:s16+$0xFFFFFC10]  }
0x33: {  	[tilespmem:s15+$0xFFFFFF50] =	vst v5;
	v4 =	vld [tilespmem:s16+$0xFFFFFC20]  }
0x34: {  	v5 =	vld [tilespmem:s16+$0x420];
	[tilespmem:s15+$0xFFFFFF60] =	vst v0  }
0x35: {  	v0 =	vld [tilespmem:s16+$0xFFFFFC30];
	[tilespmem:s15+$0xFFFFFF70] =	vst v1  }
0x36: {  	v1 =	vld [tilespmem:s16+$0xFFFFFC40];
	[tilespmem:s15+$0xFFFFFF80] =	vst v2  }
0x37: {  	[tilespmem:s15+$0xFFFFFF90] =	vst v3;
	v3 =	vld [tilespmem:s16+$0xFFFFFC60]  }
0x38: {  	[tilespmem:s15+$0xFFFFFFA0] =	vst v4;
	v4 =	vld [tilespmem:s16+$0xFFFFFC70]  }
0x39: {  	v2 =	vld [tilespmem:s16+$0xFFFFFC50];
	[tilespmem:s15+$0xA0] =	vst v5  }
0x3a: {  	[tilespmem:s15+$0xFFFFFFB0] =	vst v0;
	v0 =	vld [tilespmem:s16+$0x0]  }
0x3b: {  	[tilespmem:s15+$0xFFFFFFC0] =	vst v1;
	v1 =	vld [tilespmem:s16+$0x10]  }
0x3c: {  	[tilespmem:s15+$0xFFFFFFE0] =	vst v3;
	v3 =	vld [tilespmem:s16+$0x30]  }
0x3d: {  	[tilespmem:s15+$0xFFFFFFF0] =	vst v4;
	v4 =	vld [tilespmem:s16+$0x40]  }
0x3e: {  	[tilespmem:s15+$0xFFFFFFD0] =	vst v2;
	v2 =	vld [tilespmem:s16+$0x20]  }
0x3f: {  	[tilespmem:s15+$0x0] =	vst v0;
	v0 =	vld [tilespmem:s16+$0x50]  }
0x40: {  	[tilespmem:s15+$0x10] =	vst v1;
	v1 =	vld [tilespmem:s16+$0x60]  }
0x41: {  	[tilespmem:s15+$0x30] =	vst v3;
	v3 =	vld [tilespmem:s16+$0x400]  }
0x42: {  	[tilespmem:s15+$0x40] =	vst v4;
	v4 =	vld [tilespmem:s16+$0x410]  }
0x43: {  	[tilespmem:s15+$0x20] =	vst v2;
	v2 =	vld [tilespmem:s16+$0x70]  }
0x44: {  	[tilespmem:s15+$0x50] =	vst v0;
	v0 =	vld [tilespmem:s16+$0x430]  }
0x45: {  	[tilespmem:s15+$0x60] =	vst v1;
	v1 =	vld [tilespmem:s16+$0x440]  }
0x46: {  	[tilespmem:s15+$0x80] =	vst v3;
	v3 =	vld [tilespmem:s16+$0x450]  }
0x47: {  	[tilespmem:s15+$0x90] =	vst v4;
	v4 =	vld [tilespmem:s16+$0x460]  }
0x48: {  	s19 =	simm.s32 $0x0;
	s20 =	sadd.s32 $0x1000, s16;
	s18 =	smov.u32 s15;
	[tilespmem:s15+$0x70] =	vst v2;
	v2 =	vld [tilespmem:s16+$0xFFFFF800]  }
.LBB1_4:
0x49: {  	v5 =	vld [tilespmem:s20+$0x470];
	s19 =	sadd.s32 $0x200, s19;
	[tilespmem:s18+$0xB0] =	vst v0  }
0x4a: {  	v0 =	vld [tilespmem:s20+$0xFFFFF810];
	p1 =	slt.u32 s19, $0x600;
	[tilespmem:s18+$0xC0] =	vst v1  }
0x4b: {  	v1 =	vld [tilespmem:s20+$0xFFFFF820];
	[tilespmem:s18+$0xD0] =	vst v3  }
0x4c: {  	v3 =	vld [tilespmem:s20+$0xFFFFF830];
	[tilespmem:s18+$0xE0] =	vst v4  }
0x4d: {  	v4 =	vld [tilespmem:s20+$0xFFFFF840];
	[tilespmem:s18+$0xFFFFFF00] =	vst v2;
	s18 =	sadd.s32 $0x200, s18  }
0x4e: {  	v2 =	vld [tilespmem:s20+$0xFFFFF850];
	[tilespmem:s18+$0xF0] =	vst v5  }
0x4f: {  	[tilespmem:s18+$0xFFFFFF10] =	vst v0;
	v0 =	vld [tilespmem:s20+$0xFFFFF860]  }
0x50: {  	[tilespmem:s18+$0xFFFFFF20] =	vst v1;
	v1 =	vld [tilespmem:s20+$0xFFFFF870]  }
0x51: {  	[tilespmem:s18+$0xFFFFFF30] =	vst v3;
	v3 =	vld [tilespmem:s20+$0xFFFFFC00]  }
0x52: {  	[tilespmem:s18+$0xFFFFFF40] =	vst v4;
	v4 =	vld [tilespmem:s20+$0xFFFFFC10]  }
0x53: {  	[tilespmem:s18+$0xFFFFFF50] =	vst v2;
	v2 =	vld [tilespmem:s20+$0xFFFFFC20]  }
0x54: {  	[tilespmem:s18+$0xFFFFFF60] =	vst v0;
	v0 =	vld [tilespmem:s20+$0xFFFFFC30]  }
0x55: {  	[tilespmem:s18+$0xFFFFFF70] =	vst v1;
	v1 =	vld [tilespmem:s20+$0xFFFFFC40]  }
0x56: {  	[tilespmem:s18+$0xFFFFFF80] =	vst v3;
	v3 =	vld [tilespmem:s20+$0xFFFFFC50]  }
0x57: {  	[tilespmem:s18+$0xFFFFFF90] =	vst v4;
	v4 =	vld [tilespmem:s20+$0xFFFFFC60]  }
0x58: {  	[tilespmem:s18+$0xFFFFFFA0] =	vst v2;
	v2 =	vld [tilespmem:s20+$0xFFFFFC70]  }
0x59: {  	[tilespmem:s18+$0xFFFFFFB0] =	vst v0;
	v0 =	vld [tilespmem:s20+$0x0]  }
0x5a: {  	[tilespmem:s18+$0xFFFFFFC0] =	vst v1;
	v1 =	vld [tilespmem:s20+$0x10]  }
0x5b: {  	[tilespmem:s18+$0xFFFFFFD0] =	vst v3;
	v3 =	vld [tilespmem:s20+$0x20]  }
0x5c: {  	[tilespmem:s18+$0xFFFFFFE0] =	vst v4;
	v4 =	vld [tilespmem:s20+$0x30]  }
0x5d: {  	[tilespmem:s18+$0xFFFFFFF0] =	vst v2;
	v2 =	vld [tilespmem:s20+$0x40]  }
0x5e: {  	[tilespmem:s18+$0x0] =	vst v0;
	v0 =	vld [tilespmem:s20+$0x50]  }
0x5f: {  	[tilespmem:s18+$0x10] =	vst v1;
	v1 =	vld [tilespmem:s20+$0x60]  }
0x60: {  	[tilespmem:s18+$0x20] =	vst v3;
	v3 =	vld [tilespmem:s20+$0x70]  }
0x61: {  	[tilespmem:s18+$0x30] =	vst v4;
	v4 =	vld [tilespmem:s20+$0x400]  }
0x62: {  	[tilespmem:s18+$0x40] =	vst v2;
	v2 =	vld [tilespmem:s20+$0x410]  }
0x63: {  	[tilespmem:s18+$0x50] =	vst v0;
	v5 =	vld [tilespmem:s20+$0x420]  }
.Ltmp3:
0x64: {  	[tilespmem:s18+$0x60] =	vst v1;
	v0 =	vld [tilespmem:s20+$0x430];
	(pc) =	sbr.rel @p1 .LBB1_4-.Ltmp3, $4  }
0x65: {  	[tilespmem:s18+$0x70] =	vst v3;
	v1 =	vld [tilespmem:s20+$0x440]  }
0x66: {  	[tilespmem:s18+$0x80] =	vst v4;
	v3 =	vld [tilespmem:s20+$0x450]  }
0x67: {  	[tilespmem:s18+$0x90] =	vst v2;
	v4 =	vld [tilespmem:s20+$0x460]  }
0x68: {  	v2 =	vld [tilespmem:s20+$0xFFFFF800];
	[tilespmem:s18+$0xA0] =	vst v5;
	s20 =	sadd.s32 $0x1000, s20  }
0x69: {  	s17 =	sadd.s32 $0x1, s17  }
0x6a: {  	p1 =	sne.s32 s17, $0x8  }
.Ltmp4:
0x6b: {  	[tilespmem:s18+$0xB0] =	vst v0;
	(pc) =	sbr.rel @p1 .LBB1_3-.Ltmp4, $4  }
0x6c: {  	[tilespmem:s18+$0xC0] =	vst v1  }
0x6d: {  	[tilespmem:s18+$0xD0] =	vst v3  }
0x6e: {  	[tilespmem:s18+$0xE0] =	vst v4  }
0x6f: {  	s15 =	sadd.s32 $0x800, s15;
	s16 =	sadd.s32 $0x80, s16;
	[tilespmem:s18+$0xFFFFFF00] =	vst v2  }
.Ltmp5:
0x70: {  	s13 =	sshll.u32 s13, $0xF;
	s12 =	sshll.u32 s12, $0x9;
	(pc) =	sbr.rel .LBB1_7-.Ltmp5, $4  }
0x71: {  	s15 =	sshrl.u32 s11, $0x3;
	s31 =	sand.u32 $0x7, s11;
	s13 =	sadd.s32 s2, s13  }
0x72: {  	s15 =	sand.u32 $0x1FF, s15;
	s11 =	sshll.u32 s31, $0x12;
	s12 =	sadd.s32 s12, s13  }
0x73: {  	s11 =	sor.u32 $0x800, s11;
	s12 =	sadd.s32 s15, s12  }
0x74: {  	[hbm4b:s12+s11] =	stream.strided.scatter [tilespmem:s14], [sflag:$0x2], $0x4000, s6, s11, $0x38;
	[tilespmem:$0x10000] =	vst v63  }
.LBB1_8:
0x75: {  	_ =	sfence.sel $0x180000  }
0x76: {  	s2 =	simm.s32 $0x1;
	[bflag:$0x0] =	sbarrier.arrive $0xFFFF  }
0x77: {  	s31 =	simm.s32 $0x2;
	[sflag:s2] =	ssyncpa.u1 $0x1  }
0x78: {  	[sflag:s31] =	ssyncpa.u1 $0x1  }
0x79: {  	p0 =	sne.s32 s1, $0x0;
	_ =	strace $0x9000004A  }
0x7a: {  	s0 =	sadd.s32 @!p0 $0x100000, s0;
	[bflag:$0x2] =	sbarrier.arrive $0xFFFF  }
0x7b: {  	[sflag:s0] =	ssyncadd.tile.s32 @!p0 $0x1;
	_ =	shalt  }
.Lfunc_end1:
_tile_overlayer_lowered:
.L_overlay_start_2:
0x7c: {  	(tag) =	ssettag $0x2  }
0x7d: {  	s0 =	rddreg [dreg:$0x0];
	s2 =	stileid.u32  }
0x7e: {  	s1 =	rddreg [dreg:$0x1];
	p0 =	sne.s32 s2, $0x0  }
0x7f: {  	s3 =	rddreg [dreg:$0x2];
	[bflag:$0x3] =	sbarrier.arrive $0xFFFF;
	s2 =	simm.s32 @!p0 $0x1C01  }
0x80: {  	[timem:s3], [sflag:s2] =	dma.local @!p0 [hbm:s0], s1  }
0x81: {  	s0 =	simm.s32 @!p0 $0x1  }
0x82: {  	_ =	swait.ge @!p0 [sflag:s0], s1  }
0x83: {  	s1 =	ssub.s32 @!p0 $0x0, s1;
	[sflag:s0] =	ssyncset.done @!p0 $0x0  }
0x84: {  	[sflag:s0] =	ssyncadd.s32 @!p0 s1  }
0x85: {  	[bflag:$0x3] =	sbarrier.arrive $0xFFFF  }
0x86: {  	_ =	shalt  }

</sc_bundles>
